<compile_context>
chip_gen: v7x
topology: tpu7x:2x2x1
jax: 0.10.2.dev20260603
libtpu: 0.0.44.dev20260713+nightly
codegen_flags: <defaults>
</compile_context>

<pallas_src>
import functools

import jax
import jax.numpy as jnp
from jax import lax
from jax.experimental import pallas as pl
from jax.experimental.pallas import tpu as pltpu
from jax.experimental.pallas import tpu_sc as plsc

M = 100000
B = 16384
H = 128
I = 32

NC = 2
NS = 16
NW = NC * NS
R = 3128
BPW = B // NW
RPAD = 3136
CWROWS = 26

_mesh = plsc.VectorSubcoreMesh(core_axis_name="c", subcore_axis_name="s")
_sc_params = pltpu.CompilerParams(needs_layout_passes=False)


@functools.partial(
    pl.kernel,
    out_type=jax.ShapeDtypeStruct((B, H), jnp.float32),
    mesh=_mesh,
    compiler_params=_sc_params,
    scratch_types=[
        pltpu.VMEM((BPW,), jnp.int32),
        pltpu.VMEM((BPW, H), jnp.float32),
        pltpu.SemaphoreType.DMA,
    ],
)
def _gather_rows(table_hbm, idx_hbm, out_hbm, idx_v, rows_v, sem):
    wid = lax.axis_index("s") * NC + lax.axis_index("c")
    base = wid * BPW
    pltpu.sync_copy(idx_hbm.at[pl.ds(base, BPW)], idx_v)
    copies = []
    for c in range(BPW // 128):
        copies.append(
            pltpu.async_copy(
                table_hbm.at[idx_v.at[pl.ds(c * 128, 128)]],
                rows_v.at[pl.ds(c * 128, 128)],
                sem,
            )
        )
    for cp in copies:
        cp.wait()
    pltpu.sync_copy(rows_v, out_hbm.at[pl.ds(base, BPW)])


@functools.partial(
    pl.kernel,
    out_type=(
        jax.ShapeDtypeStruct((NW, CWROWS, 128), jnp.int32),
        jax.ShapeDtypeStruct((NW, CWROWS, 128), jnp.int32),
        jax.ShapeDtypeStruct((NW, 16), jnp.int32),
    ),
    mesh=_mesh,
    compiler_params=_sc_params,
    scratch_types=[
        pltpu.VMEM((B,), jnp.int32),
        pltpu.VMEM((RPAD,), jnp.int32),
        pltpu.VMEM((RPAD,), jnp.int32),
        pltpu.VMEM((RPAD,), jnp.int32),
        pltpu.VMEM((RPAD,), jnp.int32),
        pltpu.VMEM((CWROWS, 128), jnp.int32),
        pltpu.VMEM((CWROWS, 128), jnp.int32),
        pltpu.VMEM((16,), jnp.int32),
    ],
)
def _winner_scan(idx_hbm, cws_hbm, cwb_hbm, nch_hbm,
                 idx_v, win0, win1, win2, win3, cw_s, cw_b, nch_v):
    wid = lax.axis_index("s") * NC + lax.axis_index("c")
    lo = wid * R
    nrows = jnp.minimum(jnp.int32(R), jnp.int32(M) - lo)
    lane = lax.iota(jnp.int32, 16)

    pltpu.sync_copy(idx_hbm, idx_v)

    wins = (win0, win1, win2, win3)

    def init_chunk(k, _):
        neg = jnp.full((16,), -1, jnp.int32)
        for w in wins:
            w[pl.ds(k * 16, 16)] = neg
        return 0

    lax.fori_loop(0, RPAD // 16, init_chunk, 0)

    SENT = jnp.int32(1 << 20)

    def scan_one(j, win):
        idx = idx_v[pl.ds(j * 16, 16)]
        il = idx - lo
        owned = (il >= 0) & (il < nrows)
        key = jnp.where(owned, il * 16 + lane, SENT + lane)
        bvec = j * 16 + lane
        ks, vs = plsc.sort_key_val(key, bvec)
        ils = lax.shift_right_arithmetic(ks, 4)
        nxt = ils.at[jnp.minimum(lane + 1, 15)].get(mode="promise_in_bounds")
        own_s = ks < SENT
        is_last = own_s & ((lane == 15) | (ils != nxt))
        addr = jnp.where(own_s, ils, R)
        plsc.store_scatter(win, [addr], vs, mask=is_last)

    def scan_step(s, _):
        for k in range(4):
            scan_one(s * 4 + k, wins[k])
        return 0

    lax.fori_loop(0, B // 16 // 4, scan_step, 0)

    def compact_chunk(k, carry):
        off, menc = carry
        wv = jnp.maximum(
            jnp.maximum(win0[pl.ds(k * 16, 16)], win1[pl.ds(k * 16, 16)]),
            jnp.maximum(win2[pl.ds(k * 16, 16)], win3[pl.ds(k * 16, 16)]),
        )
        m = wv >= 0
        mi = m.astype(jnp.int32)
        slots = lo + k * 16 + lane
        pos = off + lax.cumsum(mi, axis=0) - 1
        pos = jnp.where(m, pos, CWROWS * 128 - 1)
        prow = lax.shift_right_arithmetic(pos, 7)
        pcol = lax.bitwise_and(pos, jnp.int32(127))
        plsc.store_scatter(cw_s, [prow, pcol], slots, mask=m)
        plsc.store_scatter(cw_b, [prow, pcol], wv, mask=m)
        enc = jnp.where(m, slots * 16384 + wv, -1)
        return off + jnp.sum(mi), jnp.maximum(menc, jnp.max(enc))

    w_t, menc = lax.fori_loop(
        0, RPAD // 16, compact_chunk, (jnp.int32(0), jnp.int32(-1))
    )

    nch = jnp.where(w_t > 0, ((w_t + 127) // 128), 0)

    @pl.when(w_t > 0)
    def _():
        s_last = lax.shift_right_arithmetic(menc, 14)
        b_last = lax.bitwise_and(menc, jnp.int32(16383))
        target = nch * 128

        def pad_chunk(k, _):
            addr = w_t + k * 16 + lane
            mk = addr < target
            addr = jnp.minimum(addr, CWROWS * 128 - 1)
            prow = lax.shift_right_arithmetic(addr, 7)
            pcol = lax.bitwise_and(addr, jnp.int32(127))
            plsc.store_scatter(cw_s, [prow, pcol], jnp.full((16,), s_last), mask=mk)
            plsc.store_scatter(cw_b, [prow, pcol], jnp.full((16,), b_last), mask=mk)
            return 0

        lax.fori_loop(0, 8, pad_chunk, 0)

    nch_v[...] = jnp.full((16,), nch, jnp.int32)
    pltpu.sync_copy(cw_s, cws_hbm.at[wid])
    pltpu.sync_copy(cw_b, cwb_hbm.at[wid])
    pltpu.sync_copy(nch_v, nch_hbm.at[wid])


def _gru_body(x_ref, h_ref, wih_ref, whh_ref, bih_ref, bhh_ref, tbl_ref,
              out_ref, cp_ref):
    x = x_ref[...]
    h = h_ref[...]
    dn = (((1,), (1,)), ((), ()))
    gi = lax.dot_general(x, wih_ref[...], dn, preferred_element_type=jnp.float32)
    gi = gi + bih_ref[...]
    gh = lax.dot_general(h, whh_ref[...], dn, preferred_element_type=jnp.float32)
    gh = gh + bhh_ref[...]
    r = jax.nn.sigmoid(gi[:, :H] + gh[:, :H])
    z = jax.nn.sigmoid(gi[:, H:2 * H] + gh[:, H:2 * H])
    n = jnp.tanh(gi[:, 2 * H:] + r * gh[:, 2 * H:])
    out_ref[...] = (1.0 - z) * n + z * h
    cp_ref[...] = tbl_ref[...]


_TB = 1024
CPB = 6256


def _gru(x, h_g, w_ih, w_hh, b_ih2, b_hh2, tbl):
    return pl.pallas_call(
        _gru_body,
        grid=(B // _TB,),
        in_specs=[
            pl.BlockSpec((_TB, I), lambda i: (i, 0)),
            pl.BlockSpec((_TB, H), lambda i: (i, 0)),
            pl.BlockSpec((3 * H, I), lambda i: (0, 0)),
            pl.BlockSpec((3 * H, H), lambda i: (0, 0)),
            pl.BlockSpec((1, 3 * H), lambda i: (0, 0)),
            pl.BlockSpec((1, 3 * H), lambda i: (0, 0)),
            pl.BlockSpec((CPB, H), lambda i: (i, 0)),
        ],
        out_specs=[
            pl.BlockSpec((_TB, H), lambda i: (i, 0)),
            pl.BlockSpec((CPB, H), lambda i: (i, 0)),
        ],
        out_shape=[
            jax.ShapeDtypeStruct((B, H), jnp.float32),
            jax.ShapeDtypeStruct((M, H), jnp.float32),
        ],
    )(x, h_g, w_ih, w_hh, b_ih2, b_hh2, tbl)


@functools.partial(
    pl.kernel,
    mesh=_mesh,
    compiler_params=_sc_params,
    scratch_types=[
        pltpu.VMEM((CWROWS, 128), jnp.int32),
        pltpu.VMEM((CWROWS, 128), jnp.int32),
        pltpu.VMEM((16,), jnp.int32),
        pltpu.VMEM((128, H), jnp.float32),
        pltpu.VMEM((128, H), jnp.float32),
        pltpu.SemaphoreType.DMA,
        pltpu.SemaphoreType.DMA,
        pltpu.SemaphoreType.DMA,
        pltpu.SemaphoreType.DMA,
    ],
)
def _scatter_update(cws_hbm, cwb_hbm, nch_hbm, hnew_hbm, out_hbm,
                    cw_s, cw_b, nch_v, rb0, rb1, g0, g1, s0, s1):
    wid = lax.axis_index("s") * NC + lax.axis_index("c")
    pltpu.sync_copy(nch_hbm.at[wid], nch_v)
    pltpu.sync_copy(cws_hbm.at[wid], cw_s)
    pltpu.sync_copy(cwb_hbm.at[wid], cw_b)
    nch = nch_v[pl.ds(0, 16)][0]

    rbufs = (rb0, rb1)
    gsems = (g0, g1)
    ssems = (s0, s1)

    def gather_chunk(c, p):
        pltpu.async_copy(hnew_hbm.at[cw_b.at[c]], rbufs[p], gsems[p])

    def wait_gather(p):
        pltpu.make_async_copy(hnew_hbm.at[cw_b.at[0]], rbufs[p], gsems[p]).wait()

    def scatter_chunk(c, p):
        pltpu.async_copy(rbufs[p], out_hbm.at[cw_s.at[c]], ssems[p])

    def wait_scatter(p):
        pltpu.make_async_copy(rbufs[p], out_hbm.at[cw_s.at[0]], ssems[p]).wait()

    @pl.when(nch > 0)
    def _():
        gather_chunk(0, 0)

    @pl.when(nch > 1)
    def _():
        gather_chunk(1, 1)

    def outer(i, _):
        for p in range(2):
            c = i * 2 + p

            @pl.when(c < nch)
            def _():
                wait_gather(p)
                scatter_chunk(c, p)
                wait_scatter(p)

                @pl.when(c + 2 < nch)
                def _():
                    gather_chunk(c + 2, p)

        return 0

    lax.fori_loop(0, (CWROWS + 1) // 2, outer, 0)


def kernel(current_time, mgn_h, delta_t, X_obs, i_obs, update, W_ih, W_hh, b_ih, b_hh):
    idx = i_obs.astype(jnp.int32)
    h_g = _gather_rows(mgn_h, idx)
    cws, cwb, nchs = _winner_scan(idx)
    h_new, tbl_copy = _gru(X_obs, h_g, W_ih, W_hh,
                           b_ih.reshape(1, 3 * H), b_hh.reshape(1, 3 * H),
                           mgn_h)
    out_ref = jax.new_ref(tbl_copy)
    _scatter_update(cws, cwb, nchs, h_new, out_ref)
    return out_ref[...]

# --- scband reference (transcript-rebuilt; emitter-appended) ---
"""Pipeline reference for scband-mgn-odernn-29961691857383 (READ-ONLY COPY).

The authoritative reference and input builder live on the scoring server;
editing this copy changes nothing except your own understanding.
"""

import jax, jax.numpy as jnp
import numpy as np

M = 100000
I = 32
NDIM = 4
H = I * NDIM  # 128
B = 16384


def setup_inputs(seed: int = 0) -> dict:
    key = jax.random.key(seed)
    ks = jax.random.split(key, 8)
    mgn_h = jax.random.normal(ks[0], (M, H), dtype=jnp.float32)
    X_obs = jax.random.normal(ks[1], (B, I), dtype=jnp.float32)
    i_obs = jax.random.randint(ks[2], (B,), 0, M, dtype=jnp.int64 if jax.config.jax_enable_x64 else jnp.int32)
    s = 1.0 / np.sqrt(H)
    W_ih = jax.random.uniform(ks[3], (3 * H, I), minval=-s, maxval=s, dtype=jnp.float32)
    W_hh = jax.random.uniform(ks[4], (3 * H, H), minval=-s, maxval=s, dtype=jnp.float32)
    b_ih = jax.random.uniform(ks[5], (3 * H,), minval=-s, maxval=s, dtype=jnp.float32)
    b_hh = jax.random.uniform(ks[6], (3 * H,), minval=-s, maxval=s, dtype=jnp.float32)
    return {
        "current_time": 0,
        "mgn_h": mgn_h,
        "delta_t": 1,
        "X_obs": X_obs,
        "i_obs": i_obs,
        "update": True,
        "W_ih": W_ih,
        "W_hh": W_hh,
        "b_ih": b_ih,
        "b_hh": b_hh,
    }


def _gru_cell(x, h, W_ih, W_hh, b_ih, b_hh):
    # Faithful torch.nn.GRUCell math
    gi = x @ W_ih.T + b_ih
    gh = h @ W_hh.T + b_hh
    i_r, i_z, i_n = jnp.split(gi, 3, axis=1)
    h_r, h_z, h_n = jnp.split(gh, 3, axis=1)
    r = jax.nn.sigmoid(i_r + h_r)
    z = jax.nn.sigmoid(i_z + h_z)
    n = jnp.tanh(i_n + r * h_n)
    return (1.0 - z) * n + z * h


def reference(current_time, mgn_h, delta_t, X_obs, i_obs, update, W_ih, W_hh, b_ih, b_hh):
    # update=True branch: gather memory rows, run GRUCell, scatter-overwrite back
    h_gathered = jnp.take(mgn_h, i_obs, axis=0)
    h_new = _gru_cell(X_obs, h_gathered, W_ih, W_hh, b_ih, b_hh)
    return mgn_h.at[i_obs].set(h_new)

if __name__ == "__main__":
    import jax
    _d = setup_inputs()
    print(jax.jit(kernel)(*tuple(_d.values())))

</pallas_src>

<mosaic_0001>
#map = affine_map<(d0, d1) -> (0)>
#map1 = affine_map<(d0, d1) -> (0, 0, 0)>
#map2 = affine_map<(d0, d1) -> (0, 0)>
module attributes {stable_mosaic.version = 14 : i64} {
  func.func @_winner_scan(%arg0: i32, %arg1: i32, %arg2: memref<16384xi32, #tpu.memory_space<hbm>>, %arg3: memref<32x26x128xi32, #tpu.memory_space<hbm>>, %arg4: memref<32x26x128xi32, #tpu.memory_space<hbm>>, %arg5: memref<32x16xi32, #tpu.memory_space<hbm>>, %arg6: memref<16384xi32, #tpu.memory_space<vmem>>, %arg7: memref<3136xi32, #tpu.memory_space<vmem>>, %arg8: memref<3136xi32, #tpu.memory_space<vmem>>, %arg9: memref<3136xi32, #tpu.memory_space<vmem>>, %arg10: memref<3136xi32, #tpu.memory_space<vmem>>, %arg11: memref<26x128xi32, #tpu.memory_space<vmem>>, %arg12: memref<26x128xi32, #tpu.memory_space<vmem>>, %arg13: memref<16xi32, #tpu.memory_space<vmem>>) attributes {dimension_semantics = [#tpu.dimension_semantics<core_parallel>, #tpu.dimension_semantics<subcore_parallel>], iteration_bounds = array<i64: 2, 16>, scalar_prefetch = 0 : i64, scratch_operands = 8 : i64, tpu.core_type = #tpu.core_type<sc_vector_subcore>, window_params = [{transform_indices = #map}, {transform_indices = #map1}, {transform_indices = #map1}, {transform_indices = #map2}]} {
    %mul3A = arith.constant 2 : i32
    %mul3A_0 = arith.muli %arg1, %mul3A : i32
    %add3A = arith.addi %mul3A_0, %arg0 : i32
    %mul3A_1 = arith.constant 3128 : i32
    %mul3A_2 = arith.muli %add3A, %mul3A_1 : i32
    %sub3A = arith.constant 100000 : i32
    %sub3A_3 = arith.subi %sub3A, %mul3A_2 : i32
    %min3A = arith.constant 3128 : i32
    %min3A_4 = arith.minsi %min3A, %sub3A_3 : i32
    %iota3A = tpu.iota {dimensions = array<i32: 0>} : vector<16xi32>
    "tpu.region"() ({
      %run_scoped3A = tpu.sem_alloc : memref<!tpu.dma_semaphore, #tpu.memory_space<semaphore_mem>>
      tpu.enqueue_dma source(%arg2 : memref<16384xi32, #tpu.memory_space<hbm>>) target(%arg6 : memref<16384xi32, #tpu.memory_space<vmem>>) target_semaphore(%run_scoped3A : memref<!tpu.dma_semaphore, #tpu.memory_space<semaphore_mem>>)
      tpu.wait_dma2 semaphore(%run_scoped3A : memref<!tpu.dma_semaphore, #tpu.memory_space<semaphore_mem>>) src(%arg2 : memref<16384xi32, #tpu.memory_space<hbm>>) dst(%arg6 : memref<16384xi32, #tpu.memory_space<vmem>>)
      tpu.yield
    }) : () -> ()
    %scan3A = arith.constant 0 : i32
    %scan3A_5 = arith.constant 0 : i32
    %scan3A_6 = arith.constant 196 : i32
    %scan3A_7 = arith.addi %scan3A_5, %scan3A_6 : i32
    %scan3A_8 = arith.constant 1 : i32
    %scan3A_9 = scf.for %scan3A_53 = %scan3A_5 to %scan3A_7 step %scan3A_8 iter_args(%scan3A_54 = %scan3A) -> (i32)  : i32 {
      %broadcast_in_dim3A_55 = arith.constant -1 : i32
      %broadcast_in_dim3A_56 = vector.broadcast %broadcast_in_dim3A_55 : i32 to vector<16xi32>
      %mul3A_57 = arith.constant 16 : i32
      %mul3A_58 = arith.muli %scan3A_53, %mul3A_57 : i32
      %swap3A_59 = arith.index_cast %mul3A_58 : i32 to index
      %swap3A_60 = tpu.vector_load %arg7[%swap3A_59] {strides = array<i32>} : memref<3136xi32, #tpu.memory_space<vmem>>, vector<16xi32>,
      tpu.vector_store %arg7[%swap3A_59], %broadcast_in_dim3A_56 {strides = array<i32>} : memref<3136xi32, #tpu.memory_space<vmem>>, vector<16xi32>,
      %mul3A_61 = arith.constant 16 : i32
      %mul3A_62 = arith.muli %scan3A_53, %mul3A_61 : i32
      %swap3A_63 = arith.index_cast %mul3A_62 : i32 to index
      %swap3A_64 = tpu.vector_load %arg8[%swap3A_63] {strides = array<i32>} : memref<3136xi32, #tpu.memory_space<vmem>>, vector<16xi32>,
      tpu.vector_store %arg8[%swap3A_63], %broadcast_in_dim3A_56 {strides = array<i32>} : memref<3136xi32, #tpu.memory_space<vmem>>, vector<16xi32>,
      %mul3A_65 = arith.constant 16 : i32
      %mul3A_66 = arith.muli %scan3A_53, %mul3A_65 : i32
      %swap3A_67 = arith.index_cast %mul3A_66 : i32 to index
      %swap3A_68 = tpu.vector_load %arg9[%swap3A_67] {strides = array<i32>} : memref<3136xi32, #tpu.memory_space<vmem>>, vector<16xi32>,
      tpu.vector_store %arg9[%swap3A_67], %broadcast_in_dim3A_56 {strides = array<i32>} : memref<3136xi32, #tpu.memory_space<vmem>>, vector<16xi32>,
      %mul3A_69 = arith.constant 16 : i32
      %mul3A_70 = arith.muli %scan3A_53, %mul3A_69 : i32
      %swap3A_71 = arith.index_cast %mul3A_70 : i32 to index
      %swap3A_72 = tpu.vector_load %arg10[%swap3A_71] {strides = array<i32>} : memref<3136xi32, #tpu.memory_space<vmem>>, vector<16xi32>,
      tpu.vector_store %arg10[%swap3A_71], %broadcast_in_dim3A_56 {strides = array<i32>} : memref<3136xi32, #tpu.memory_space<vmem>>, vector<16xi32>,
      %scan3A_73 = arith.constant 0 : i32
      scf.yield %scan3A_73 : i32
    }
    %scan3A_10 = arith.constant 196 : i32
    %scan3A_11 = arith.constant 1048576 : i32
    %scan3A_12 = arith.constant 0 : i32
    %scan3A_13 = arith.constant 0 : i32
    %scan3A_14 = arith.constant 256 : i32
    %scan3A_15 = arith.addi %scan3A_13, %scan3A_14 : i32
    %scan3A_16 = arith.constant 1 : i32
    %scan3A_17 = scf.for %scan3A_53 = %scan3A_13 to %scan3A_15 step %scan3A_16 iter_args(%scan3A_54 = %scan3A_12) -> (i32)  : i32 {
      %mul3A_55 = arith.constant 4 : i32
      %mul3A_56 = arith.muli %scan3A_53, %mul3A_55 : i32
      %add3A_57 = arith.constant 0 : i32
      %add3A_58 = arith.addi %mul3A_56, %add3A_57 : i32
      %mul3A_59 = arith.constant 16 : i32
      %mul3A_60 = arith.muli %add3A_58, %mul3A_59 : i32
      %get3A = arith.index_cast %mul3A_60 : i32 to index
      %get3A_61 = tpu.vector_load %arg6[%get3A] {strides = array<i32>} : memref<16384xi32, #tpu.memory_space<vmem>>, vector<16xi32>,
      %sub3A_62 = vector.broadcast %mul3A_2 : i32 to vector<16xi32>
      %sub3A_63 = arith.subi %get3A_61, %sub3A_62 : vector<16xi32>
      %ge3A = arith.constant 0 : i32
      %ge3A_64 = vector.broadcast %ge3A : i32 to vector<16xi32>
      %ge3A_65 = arith.cmpi sge, %sub3A_63, %ge3A_64 : vector<16xi32>
      %lt3A = vector.broadcast %min3A_4 : i32 to vector<16xi32>
      %lt3A_66 = arith.cmpi slt, %sub3A_63, %lt3A : vector<16xi32>
      %and3A_67 = arith.andi %ge3A_65, %lt3A_66 : vector<16xi1>
      %mul3A_68 = arith.constant 16 : i32
      %mul3A_69 = vector.broadcast %mul3A_68 : i32 to vector<16xi32>
      %mul3A_70 = arith.muli %sub3A_63, %mul3A_69 : vector<16xi32>
      %add3A_71 = arith.addi %mul3A_70, %iota3A : vector<16xi32>
      %add3A_72 = vector.broadcast %scan3A_11 : i32 to vector<16xi32>
      %add3A_73 = arith.addi %add3A_72, %iota3A : vector<16xi32>
      %select_n3A_74 = arith.select %and3A_67, %add3A_71, %add3A_73 : vector<16xi1>, vector<16xi32>
      %mul3A_75 = arith.constant 16 : i32
      %mul3A_76 = arith.muli %add3A_58, %mul3A_75 : i32
      %add3A_77 = vector.broadcast %mul3A_76 : i32 to vector<16xi32>
      %add3A_78 = arith.addi %add3A_77, %iota3A : vector<16xi32>
      %masked_sort3A = arith.constant dense<true> : vector<16xi1>
      %masked_sort3A_79 = arith.constant -2147483648 : i32
      %masked_sort3A_80 = vector.broadcast %masked_sort3A_79 : i32 to vector<16xi32>
      %masked_sort3A_81 = arith.xori %select_n3A_74, %masked_sort3A_80 : vector<16xi32>
      %masked_sort3A_82, %masked_sort3A_83, %masked_sort3A_84 = tpu.sort %masked_sort3A_81, %add3A_78 masked %masked_sort3A : (vector<16xi32>, vector<16xi32>, vector<16xi1>) -> (vector<16xi1>, vector<16xi32>, vector<16xi32>)
      %masked_sort3A_85 = arith.xori %masked_sort3A_83, %masked_sort3A_80 : vector<16xi32>
      %shift_right_arithmetic3A = arith.constant 4 : i32
      %shift_right_arithmetic3A_86 = vector.broadcast %shift_right_arithmetic3A : i32 to vector<16xi32>
      %shift_right_arithmetic3A_87 = arith.shrsi %masked_sort3A_85, %shift_right_arithmetic3A_86 : vector<16xi32>
      %add3A_88 = arith.constant 1 : i32
      %add3A_89 = vector.broadcast %add3A_88 : i32 to vector<16xi32>
      %add3A_90 = arith.addi %iota3A, %add3A_89 : vector<16xi32>
      %min3A_91 = arith.constant 15 : i32
      %min3A_92 = vector.broadcast %min3A_91 : i32 to vector<16xi32>
      %min3A_93 = arith.minsi %add3A_90, %min3A_92 : vector<16xi32>
      %lt3A_94 = arith.constant 0 : i32
      %lt3A_95 = vector.broadcast %lt3A_94 : i32 to vector<16xi32>
      %lt3A_96 = arith.cmpi slt, %min3A_93, %lt3A_95 : vector<16xi32>
      %add3A_97 = arith.constant 16 : i32
      %add3A_98 = vector.broadcast %add3A_97 : i32 to vector<16xi32>
      %add3A_99 = arith.addi %min3A_93, %add3A_98 : vector<16xi32>
      %select_n3A_100 = arith.select %lt3A_96, %add3A_99, %min3A_93 : vector<16xi1>, vector<16xi32>
      %broadcast_in_dim3A_101 = vector.shape_cast %select_n3A_100 : vector<16xi32> to vector<16x1xi32>
      %gather3A = vector.shape_cast %broadcast_in_dim3A_101 : vector<16x1xi32> to vector<16xi32>
      %gather3A_102 = tpu.dynamic_gather %shift_right_arithmetic3A_87[%gather3A] in [0] : vector<16xi32>, vector<16xi32> -> vector<16xi32>
      %lt3A_103 = vector.broadcast %scan3A_11 : i32 to vector<16xi32>
      %lt3A_104 = arith.cmpi slt, %masked_sort3A_85, %lt3A_103 : vector<16xi32>
      %eq3A = arith.constant 15 : i32
      %eq3A_105 = vector.broadcast %eq3A : i32 to vector<16xi32>
      %eq3A_106 = arith.cmpi eq, %iota3A, %eq3A_105 : vector<16xi32>
      %ne3A_107 = arith.cmpi ne, %shift_right_arithmetic3A_87, %gather3A_102 : vector<16xi32>
      %or3A = arith.ori %eq3A_106, %ne3A_107 : vector<16xi1>
      %and3A_108 = arith.andi %lt3A_104, %or3A : vector<16xi1>
      %jit3A_109 = arith.constant 3128 : i32
      %broadcast_in_dim3A_110 = vector.broadcast %jit3A_109 : i32 to vector<16xi32>
      %select_n3A_111 = arith.select %lt3A_104, %shift_right_arithmetic3A_87, %broadcast_in_dim3A_110 : vector<16xi1>, vector<16xi32>
      tpu.vector_store_idx %arg7[%select_n3A_111], %masked_sort3A_84 masked %and3A_108 : memref<3136xi32, #tpu.memory_space<vmem>>[vector<16xi32>], vector<16xi32>, vector<16xi1>
      %mul3A_112 = arith.constant 4 : i32
      %mul3A_113 = arith.muli %scan3A_53, %mul3A_112 : i32
      %add3A_114 = arith.constant 1 : i32
      %add3A_115 = arith.addi %mul3A_113, %add3A_114 : i32
      %mul3A_116 = arith.constant 16 : i32
      %mul3A_117 = arith.muli %add3A_115, %mul3A_116 : i32
      %get3A_118 = arith.index_cast %mul3A_117 : i32 to index
      %get3A_119 = tpu.vector_load %arg6[%get3A_118] {strides = array<i32>} : memref<16384xi32, #tpu.memory_space<vmem>>, vector<16xi32>,
      %sub3A_120 = vector.broadcast %mul3A_2 : i32 to vector<16xi32>
      %sub3A_121 = arith.subi %get3A_119, %sub3A_120 : vector<16xi32>
      %ge3A_122 = arith.constant 0 : i32
      %ge3A_123 = vector.broadcast %ge3A_122 : i32 to vector<16xi32>
      %ge3A_124 = arith.cmpi sge, %sub3A_121, %ge3A_123 : vector<16xi32>
      %lt3A_125 = vector.broadcast %min3A_4 : i32 to vector<16xi32>
      %lt3A_126 = arith.cmpi slt, %sub3A_121, %lt3A_125 : vector<16xi32>
      %and3A_127 = arith.andi %ge3A_124, %lt3A_126 : vector<16xi1>
      %mul3A_128 = arith.constant 16 : i32
      %mul3A_129 = vector.broadcast %mul3A_128 : i32 to vector<16xi32>
      %mul3A_130 = arith.muli %sub3A_121, %mul3A_129 : vector<16xi32>
      %add3A_131 = arith.addi %mul3A_130, %iota3A : vector<16xi32>
      %add3A_132 = vector.broadcast %scan3A_11 : i32 to vector<16xi32>
      %add3A_133 = arith.addi %add3A_132, %iota3A : vector<16xi32>
      %select_n3A_134 = arith.select %and3A_127, %add3A_131, %add3A_133 : vector<16xi1>, vector<16xi32>
      %mul3A_135 = arith.constant 16 : i32
      %mul3A_136 = arith.muli %add3A_115, %mul3A_135 : i32
      %add3A_137 = vector.broadcast %mul3A_136 : i32 to vector<16xi32>
      %add3A_138 = arith.addi %add3A_137, %iota3A : vector<16xi32>
      %masked_sort3A_139 = arith.constant dense<true> : vector<16xi1>
      %masked_sort3A_140 = arith.constant -2147483648 : i32
      %masked_sort3A_141 = vector.broadcast %masked_sort3A_140 : i32 to vector<16xi32>
      %masked_sort3A_142 = arith.xori %select_n3A_134, %masked_sort3A_141 : vector<16xi32>
      %masked_sort3A_143, %masked_sort3A_144, %masked_sort3A_145 = tpu.sort %masked_sort3A_142, %add3A_138 masked %masked_sort3A_139 : (vector<16xi32>, vector<16xi32>, vector<16xi1>) -> (vector<16xi1>, vector<16xi32>, vector<16xi32>)
      %masked_sort3A_146 = arith.xori %masked_sort3A_144, %masked_sort3A_141 : vector<16xi32>
      %shift_right_arithmetic3A_147 = arith.constant 4 : i32
      %shift_right_arithmetic3A_148 = vector.broadcast %shift_right_arithmetic3A_147 : i32 to vector<16xi32>
      %shift_right_arithmetic3A_149 = arith.shrsi %masked_sort3A_146, %shift_right_arithmetic3A_148 : vector<16xi32>
      %add3A_150 = arith.constant 1 : i32
      %add3A_151 = vector.broadcast %add3A_150 : i32 to vector<16xi32>
      %add3A_152 = arith.addi %iota3A, %add3A_151 : vector<16xi32>
      %min3A_153 = arith.constant 15 : i32
      %min3A_154 = vector.broadcast %min3A_153 : i32 to vector<16xi32>
      %min3A_155 = arith.minsi %add3A_152, %min3A_154 : vector<16xi32>
      %lt3A_156 = arith.constant 0 : i32
      %lt3A_157 = vector.broadcast %lt3A_156 : i32 to vector<16xi32>
      %lt3A_158 = arith.cmpi slt, %min3A_155, %lt3A_157 : vector<16xi32>
      %add3A_159 = arith.constant 16 : i32
      %add3A_160 = vector.broadcast %add3A_159 : i32 to vector<16xi32>
      %add3A_161 = arith.addi %min3A_155, %add3A_160 : vector<16xi32>
      %select_n3A_162 = arith.select %lt3A_158, %add3A_161, %min3A_155 : vector<16xi1>, vector<16xi32>
      %broadcast_in_dim3A_163 = vector.shape_cast %select_n3A_162 : vector<16xi32> to vector<16x1xi32>
      %gather3A_164 = vector.shape_cast %broadcast_in_dim3A_163 : vector<16x1xi32> to vector<16xi32>
      %gather3A_165 = tpu.dynamic_gather %shift_right_arithmetic3A_149[%gather3A_164] in [0] : vector<16xi32>, vector<16xi32> -> vector<16xi32>
      %lt3A_166 = vector.broadcast %scan3A_11 : i32 to vector<16xi32>
      %lt3A_167 = arith.cmpi slt, %masked_sort3A_146, %lt3A_166 : vector<16xi32>
      %eq3A_168 = arith.constant 15 : i32
      %eq3A_169 = vector.broadcast %eq3A_168 : i32 to vector<16xi32>
      %eq3A_170 = arith.cmpi eq, %iota3A, %eq3A_169 : vector<16xi32>
      %ne3A_171 = arith.cmpi ne, %shift_right_arithmetic3A_149, %gather3A_165 : vector<16xi32>
      %or3A_172 = arith.ori %eq3A_170, %ne3A_171 : vector<16xi1>
      %and3A_173 = arith.andi %lt3A_167, %or3A_172 : vector<16xi1>
      %jit3A_174 = arith.constant 3128 : i32
      %broadcast_in_dim3A_175 = vector.broadcast %jit3A_174 : i32 to vector<16xi32>
      %select_n3A_176 = arith.select %lt3A_167, %shift_right_arithmetic3A_149, %broadcast_in_dim3A_175 : vector<16xi1>, vector<16xi32>
      tpu.vector_store_idx %arg8[%select_n3A_176], %masked_sort3A_145 masked %and3A_173 : memref<3136xi32, #tpu.memory_space<vmem>>[vector<16xi32>], vector<16xi32>, vector<16xi1>
      %mul3A_177 = arith.constant 4 : i32
      %mul3A_178 = arith.muli %scan3A_53, %mul3A_177 : i32
      %add3A_179 = arith.constant 2 : i32
      %add3A_180 = arith.addi %mul3A_178, %add3A_179 : i32
      %mul3A_181 = arith.constant 16 : i32
      %mul3A_182 = arith.muli %add3A_180, %mul3A_181 : i32
      %get3A_183 = arith.index_cast %mul3A_182 : i32 to index
      %get3A_184 = tpu.vector_load %arg6[%get3A_183] {strides = array<i32>} : memref<16384xi32, #tpu.memory_space<vmem>>, vector<16xi32>,
      %sub3A_185 = vector.broadcast %mul3A_2 : i32 to vector<16xi32>
      %sub3A_186 = arith.subi %get3A_184, %sub3A_185 : vector<16xi32>
      %ge3A_187 = arith.constant 0 : i32
      %ge3A_188 = vector.broadcast %ge3A_187 : i32 to vector<16xi32>
      %ge3A_189 = arith.cmpi sge, %sub3A_186, %ge3A_188 : vector<16xi32>
      %lt3A_190 = vector.broadcast %min3A_4 : i32 to vector<16xi32>
      %lt3A_191 = arith.cmpi slt, %sub3A_186, %lt3A_190 : vector<16xi32>
      %and3A_192 = arith.andi %ge3A_189, %lt3A_191 : vector<16xi1>
      %mul3A_193 = arith.constant 16 : i32
      %mul3A_194 = vector.broadcast %mul3A_193 : i32 to vector<16xi32>
      %mul3A_195 = arith.muli %sub3A_186, %mul3A_194 : vector<16xi32>
      %add3A_196 = arith.addi %mul3A_195, %iota3A : vector<16xi32>
      %add3A_197 = vector.broadcast %scan3A_11 : i32 to vector<16xi32>
      %add3A_198 = arith.addi %add3A_197, %iota3A : vector<16xi32>
      %select_n3A_199 = arith.select %and3A_192, %add3A_196, %add3A_198 : vector<16xi1>, vector<16xi32>
      %mul3A_200 = arith.constant 16 : i32
      %mul3A_201 = arith.muli %add3A_180, %mul3A_200 : i32
      %add3A_202 = vector.broadcast %mul3A_201 : i32 to vector<16xi32>
      %add3A_203 = arith.addi %add3A_202, %iota3A : vector<16xi32>
      %masked_sort3A_204 = arith.constant dense<true> : vector<16xi1>
      %masked_sort3A_205 = arith.constant -2147483648 : i32
      %masked_sort3A_206 = vector.broadcast %masked_sort3A_205 : i32 to vector<16xi32>
      %masked_sort3A_207 = arith.xori %select_n3A_199, %masked_sort3A_206 : vector<16xi32>
      %masked_sort3A_208, %masked_sort3A_209, %masked_sort3A_210 = tpu.sort %masked_sort3A_207, %add3A_203 masked %masked_sort3A_204 : (vector<16xi32>, vector<16xi32>, vector<16xi1>) -> (vector<16xi1>, vector<16xi32>, vector<16xi32>)
      %masked_sort3A_211 = arith.xori %masked_sort3A_209, %masked_sort3A_206 : vector<16xi32>
      %shift_right_arithmetic3A_212 = arith.constant 4 : i32
      %shift_right_arithmetic3A_213 = vector.broadcast %shift_right_arithmetic3A_212 : i32 to vector<16xi32>
      %shift_right_arithmetic3A_214 = arith.shrsi %masked_sort3A_211, %shift_right_arithmetic3A_213 : vector<16xi32>
      %add3A_215 = arith.constant 1 : i32
      %add3A_216 = vector.broadcast %add3A_215 : i32 to vector<16xi32>
      %add3A_217 = arith.addi %iota3A, %add3A_216 : vector<16xi32>
      %min3A_218 = arith.constant 15 : i32
      %min3A_219 = vector.broadcast %min3A_218 : i32 to vector<16xi32>
      %min3A_220 = arith.minsi %add3A_217, %min3A_219 : vector<16xi32>
      %lt3A_221 = arith.constant 0 : i32
      %lt3A_222 = vector.broadcast %lt3A_221 : i32 to vector<16xi32>
      %lt3A_223 = arith.cmpi slt, %min3A_220, %lt3A_222 : vector<16xi32>
      %add3A_224 = arith.constant 16 : i32
      %add3A_225 = vector.broadcast %add3A_224 : i32 to vector<16xi32>
      %add3A_226 = arith.addi %min3A_220, %add3A_225 : vector<16xi32>
      %select_n3A_227 = arith.select %lt3A_223, %add3A_226, %min3A_220 : vector<16xi1>, vector<16xi32>
      %broadcast_in_dim3A_228 = vector.shape_cast %select_n3A_227 : vector<16xi32> to vector<16x1xi32>
      %gather3A_229 = vector.shape_cast %broadcast_in_dim3A_228 : vector<16x1xi32> to vector<16xi32>
      %gather3A_230 = tpu.dynamic_gather %shift_right_arithmetic3A_214[%gather3A_229] in [0] : vector<16xi32>, vector<16xi32> -> vector<16xi32>
      %lt3A_231 = vector.broadcast %scan3A_11 : i32 to vector<16xi32>
      %lt3A_232 = arith.cmpi slt, %masked_sort3A_211, %lt3A_231 : vector<16xi32>
      %eq3A_233 = arith.constant 15 : i32
      %eq3A_234 = vector.broadcast %eq3A_233 : i32 to vector<16xi32>
      %eq3A_235 = arith.cmpi eq, %iota3A, %eq3A_234 : vector<16xi32>
      %ne3A_236 = arith.cmpi ne, %shift_right_arithmetic3A_214, %gather3A_230 : vector<16xi32>
      %or3A_237 = arith.ori %eq3A_235, %ne3A_236 : vector<16xi1>
      %and3A_238 = arith.andi %lt3A_232, %or3A_237 : vector<16xi1>
      %jit3A_239 = arith.constant 3128 : i32
      %broadcast_in_dim3A_240 = vector.broadcast %jit3A_239 : i32 to vector<16xi32>
      %select_n3A_241 = arith.select %lt3A_232, %shift_right_arithmetic3A_214, %broadcast_in_dim3A_240 : vector<16xi1>, vector<16xi32>
      tpu.vector_store_idx %arg9[%select_n3A_241], %masked_sort3A_210 masked %and3A_238 : memref<3136xi32, #tpu.memory_space<vmem>>[vector<16xi32>], vector<16xi32>, vector<16xi1>
      %mul3A_242 = arith.constant 4 : i32
      %mul3A_243 = arith.muli %scan3A_53, %mul3A_242 : i32
      %add3A_244 = arith.constant 3 : i32
      %add3A_245 = arith.addi %mul3A_243, %add3A_244 : i32
      %mul3A_246 = arith.constant 16 : i32
      %mul3A_247 = arith.muli %add3A_245, %mul3A_246 : i32
      %get3A_248 = arith.index_cast %mul3A_247 : i32 to index
      %get3A_249 = tpu.vector_load %arg6[%get3A_248] {strides = array<i32>} : memref<16384xi32, #tpu.memory_space<vmem>>, vector<16xi32>,
      %sub3A_250 = vector.broadcast %mul3A_2 : i32 to vector<16xi32>
      %sub3A_251 = arith.subi %get3A_249, %sub3A_250 : vector<16xi32>
      %ge3A_252 = arith.constant 0 : i32
      %ge3A_253 = vector.broadcast %ge3A_252 : i32 to vector<16xi32>
      %ge3A_254 = arith.cmpi sge, %sub3A_251, %ge3A_253 : vector<16xi32>
      %lt3A_255 = vector.broadcast %min3A_4 : i32 to vector<16xi32>
      %lt3A_256 = arith.cmpi slt, %sub3A_251, %lt3A_255 : vector<16xi32>
      %and3A_257 = arith.andi %ge3A_254, %lt3A_256 : vector<16xi1>
      %mul3A_258 = arith.constant 16 : i32
      %mul3A_259 = vector.broadcast %mul3A_258 : i32 to vector<16xi32>
      %mul3A_260 = arith.muli %sub3A_251, %mul3A_259 : vector<16xi32>
      %add3A_261 = arith.addi %mul3A_260, %iota3A : vector<16xi32>
      %add3A_262 = vector.broadcast %scan3A_11 : i32 to vector<16xi32>
      %add3A_263 = arith.addi %add3A_262, %iota3A : vector<16xi32>
      %select_n3A_264 = arith.select %and3A_257, %add3A_261, %add3A_263 : vector<16xi1>, vector<16xi32>
      %mul3A_265 = arith.constant 16 : i32
      %mul3A_266 = arith.muli %add3A_245, %mul3A_265 : i32
      %add3A_267 = vector.broadcast %mul3A_266 : i32 to vector<16xi32>
      %add3A_268 = arith.addi %add3A_267, %iota3A : vector<16xi32>
      %masked_sort3A_269 = arith.constant dense<true> : vector<16xi1>
      %masked_sort3A_270 = arith.constant -2147483648 : i32
      %masked_sort3A_271 = vector.broadcast %masked_sort3A_270 : i32 to vector<16xi32>
      %masked_sort3A_272 = arith.xori %select_n3A_264, %masked_sort3A_271 : vector<16xi32>
      %masked_sort3A_273, %masked_sort3A_274, %masked_sort3A_275 = tpu.sort %masked_sort3A_272, %add3A_268 masked %masked_sort3A_269 : (vector<16xi32>, vector<16xi32>, vector<16xi1>) -> (vector<16xi1>, vector<16xi32>, vector<16xi32>)
      %masked_sort3A_276 = arith.xori %masked_sort3A_274, %masked_sort3A_271 : vector<16xi32>
      %shift_right_arithmetic3A_277 = arith.constant 4 : i32
      %shift_right_arithmetic3A_278 = vector.broadcast %shift_right_arithmetic3A_277 : i32 to vector<16xi32>
      %shift_right_arithmetic3A_279 = arith.shrsi %masked_sort3A_276, %shift_right_arithmetic3A_278 : vector<16xi32>
      %add3A_280 = arith.constant 1 : i32
      %add3A_281 = vector.broadcast %add3A_280 : i32 to vector<16xi32>
      %add3A_282 = arith.addi %iota3A, %add3A_281 : vector<16xi32>
      %min3A_283 = arith.constant 15 : i32
      %min3A_284 = vector.broadcast %min3A_283 : i32 to vector<16xi32>
      %min3A_285 = arith.minsi %add3A_282, %min3A_284 : vector<16xi32>
      %lt3A_286 = arith.constant 0 : i32
      %lt3A_287 = vector.broadcast %lt3A_286 : i32 to vector<16xi32>
      %lt3A_288 = arith.cmpi slt, %min3A_285, %lt3A_287 : vector<16xi32>
      %add3A_289 = arith.constant 16 : i32
      %add3A_290 = vector.broadcast %add3A_289 : i32 to vector<16xi32>
      %add3A_291 = arith.addi %min3A_285, %add3A_290 : vector<16xi32>
      %select_n3A_292 = arith.select %lt3A_288, %add3A_291, %min3A_285 : vector<16xi1>, vector<16xi32>
      %broadcast_in_dim3A_293 = vector.shape_cast %select_n3A_292 : vector<16xi32> to vector<16x1xi32>
      %gather3A_294 = vector.shape_cast %broadcast_in_dim3A_293 : vector<16x1xi32> to vector<16xi32>
      %gather3A_295 = tpu.dynamic_gather %shift_right_arithmetic3A_279[%gather3A_294] in [0] : vector<16xi32>, vector<16xi32> -> vector<16xi32>
      %lt3A_296 = vector.broadcast %scan3A_11 : i32 to vector<16xi32>
      %lt3A_297 = arith.cmpi slt, %masked_sort3A_276, %lt3A_296 : vector<16xi32>
      %eq3A_298 = arith.constant 15 : i32
      %eq3A_299 = vector.broadcast %eq3A_298 : i32 to vector<16xi32>
      %eq3A_300 = arith.cmpi eq, %iota3A, %eq3A_299 : vector<16xi32>
      %ne3A_301 = arith.cmpi ne, %shift_right_arithmetic3A_279, %gather3A_295 : vector<16xi32>
      %or3A_302 = arith.ori %eq3A_300, %ne3A_301 : vector<16xi1>
      %and3A_303 = arith.andi %lt3A_297, %or3A_302 : vector<16xi1>
      %jit3A_304 = arith.constant 3128 : i32
      %broadcast_in_dim3A_305 = vector.broadcast %jit3A_304 : i32 to vector<16xi32>
      %select_n3A_306 = arith.select %lt3A_297, %shift_right_arithmetic3A_279, %broadcast_in_dim3A_305 : vector<16xi1>, vector<16xi32>
      tpu.vector_store_idx %arg10[%select_n3A_306], %masked_sort3A_275 masked %and3A_303 : memref<3136xi32, #tpu.memory_space<vmem>>[vector<16xi32>], vector<16xi32>, vector<16xi1>
      %scan3A_307 = arith.constant 0 : i32
      scf.yield %scan3A_307 : i32
    }
    %scan3A_18 = arith.constant 256 : i32
    %scan3A_19 = arith.constant 0 : i32
    %scan3A_20 = arith.constant -1 : i32
    %scan3A_21 = arith.constant 0 : i32
    %scan3A_22 = arith.constant 196 : i32
    %scan3A_23 = arith.addi %scan3A_21, %scan3A_22 : i32
    %scan3A_24 = arith.constant 1 : i32
    %scan3A_25:2 = scf.for %scan3A_53 = %scan3A_21 to %scan3A_23 step %scan3A_24 iter_args(%scan3A_54 = %scan3A_19, %scan3A_55 = %scan3A_20) -> (i32, i32)  : i32 {
      %mul3A_56 = arith.constant 16 : i32
      %mul3A_57 = arith.muli %scan3A_53, %mul3A_56 : i32
      %get3A = arith.index_cast %mul3A_57 : i32 to index
      %get3A_58 = tpu.vector_load %arg7[%get3A] {strides = array<i32>} : memref<3136xi32, #tpu.memory_space<vmem>>, vector<16xi32>,
      %mul3A_59 = arith.constant 16 : i32
      %mul3A_60 = arith.muli %scan3A_53, %mul3A_59 : i32
      %get3A_61 = arith.index_cast %mul3A_60 : i32 to index
      %get3A_62 = tpu.vector_load %arg8[%get3A_61] {strides = array<i32>} : memref<3136xi32, #tpu.memory_space<vmem>>, vector<16xi32>,
      %max3A = arith.maxsi %get3A_58, %get3A_62 : vector<16xi32>
      %mul3A_63 = arith.constant 16 : i32
      %mul3A_64 = arith.muli %scan3A_53, %mul3A_63 : i32
      %get3A_65 = arith.index_cast %mul3A_64 : i32 to index
      %get3A_66 = tpu.vector_load %arg9[%get3A_65] {strides = array<i32>} : memref<3136xi32, #tpu.memory_space<vmem>>, vector<16xi32>,
      %mul3A_67 = arith.constant 16 : i32
      %mul3A_68 = arith.muli %scan3A_53, %mul3A_67 : i32
      %get3A_69 = arith.index_cast %mul3A_68 : i32 to index
      %get3A_70 = tpu.vector_load %arg10[%get3A_69] {strides = array<i32>} : memref<3136xi32, #tpu.memory_space<vmem>>, vector<16xi32>,
      %max3A_71 = arith.maxsi %get3A_66, %get3A_70 : vector<16xi32>
      %max3A_72 = arith.maxsi %max3A, %max3A_71 : vector<16xi32>
      %ge3A = arith.constant 0 : i32
      %ge3A_73 = vector.broadcast %ge3A : i32 to vector<16xi32>
      %ge3A_74 = arith.cmpi sge, %max3A_72, %ge3A_73 : vector<16xi32>
      %convert_element_type3A_75 = arith.extui %ge3A_74 : vector<16xi1> to vector<16xi32>
      %mul3A_76 = arith.constant 16 : i32
      %mul3A_77 = arith.muli %scan3A_53, %mul3A_76 : i32
      %add3A_78 = arith.addi %mul3A_2, %mul3A_77 : i32
      %add3A_79 = vector.broadcast %add3A_78 : i32 to vector<16xi32>
      %add3A_80 = arith.addi %add3A_79, %iota3A : vector<16xi32>
      %cumsum3A = arith.constant true
      %cumsum3A_81 = vector.broadcast %cumsum3A : i1 to vector<16xi1>
      %cumsum3A_82 = tpu.scan <sum>, %convert_element_type3A_75 masked %cumsum3A_81 : vector<16xi32>, vector<16xi1> -> vector<16xi32>
      %add3A_83 = vector.broadcast %scan3A_54 : i32 to vector<16xi32>
      %add3A_84 = arith.addi %add3A_83, %cumsum3A_82 : vector<16xi32>
      %sub3A_85 = arith.constant 1 : i32
      %sub3A_86 = vector.broadcast %sub3A_85 : i32 to vector<16xi32>
      %sub3A_87 = arith.subi %add3A_84, %sub3A_86 : vector<16xi32>
      %jit3A_88 = arith.constant 3327 : i32
      %broadcast_in_dim3A_89 = vector.broadcast %jit3A_88 : i32 to vector<16xi32>
      %select_n3A_90 = arith.select %ge3A_74, %sub3A_87, %broadcast_in_dim3A_89 : vector<16xi1>, vector<16xi32>
      %shift_right_arithmetic3A = arith.constant 7 : i32
      %shift_right_arithmetic3A_91 = vector.broadcast %shift_right_arithmetic3A : i32 to vector<16xi32>
      %shift_right_arithmetic3A_92 = arith.shrsi %select_n3A_90, %shift_right_arithmetic3A_91 : vector<16xi32>
      %and3A_93 = arith.constant 127 : i32
      %and3A_94 = vector.broadcast %and3A_93 : i32 to vector<16xi32>
      %and3A_95 = arith.andi %select_n3A_90, %and3A_94 : vector<16xi32>
      tpu.vector_store_idx %arg11[%shift_right_arithmetic3A_92, %and3A_95], %add3A_80 masked %ge3A_74 : memref<26x128xi32, #tpu.memory_space<vmem>>[vector<16xi32>, vector<16xi32>], vector<16xi32>, vector<16xi1>
      tpu.vector_store_idx %arg12[%shift_right_arithmetic3A_92, %and3A_95], %max3A_72 masked %ge3A_74 : memref<26x128xi32, #tpu.memory_space<vmem>>[vector<16xi32>, vector<16xi32>], vector<16xi32>, vector<16xi1>
      %mul3A_96 = arith.constant 16384 : i32
      %mul3A_97 = vector.broadcast %mul3A_96 : i32 to vector<16xi32>
      %mul3A_98 = arith.muli %add3A_80, %mul3A_97 : vector<16xi32>
      %add3A_99 = arith.addi %mul3A_98, %max3A_72 : vector<16xi32>
      %jit3A_100 = arith.constant -1 : i32
      %broadcast_in_dim3A_101 = vector.broadcast %jit3A_100 : i32 to vector<16xi32>
      %select_n3A_102 = arith.select %ge3A_74, %add3A_99, %broadcast_in_dim3A_101 : vector<16xi1>, vector<16xi32>
      %reduce_sum3A = arith.constant true
      %reduce_sum3A_103 = vector.broadcast %reduce_sum3A : i1 to vector<16xi1>
      %reduce_sum3A_104 = tpu.scan <sum>, %convert_element_type3A_75 masked %reduce_sum3A_103 : vector<16xi32>, vector<16xi1> -> vector<16xi32>
      %reduce_sum3A_105 = vector.extract %reduce_sum3A_104[15] : i32 from vector<16xi32>
      %add3A_106 = arith.addi %scan3A_54, %reduce_sum3A_105 : i32
      %reduce_max3A = arith.constant true
      %reduce_max3A_107 = vector.broadcast %reduce_max3A : i1 to vector<16xi1>
      %reduce_max3A_108 = arith.constant -2147483648 : i32
      %reduce_max3A_109 = vector.broadcast %reduce_max3A_108 : i32 to vector<16xi32>
      %reduce_max3A_110 = arith.xori %select_n3A_102, %reduce_max3A_109 : vector<16xi32>
      %reduce_max3A_111 = tpu.scan <max>, %reduce_max3A_110 masked %reduce_max3A_107 : vector<16xi32>, vector<16xi1> -> vector<16xi32>
      %reduce_max3A_112 = arith.xori %reduce_max3A_111, %reduce_max3A_109 : vector<16xi32>
      %reduce_max3A_113 = vector.extract %reduce_max3A_112[15] : i32 from vector<16xi32>
      %max3A_114 = arith.maxsi %scan3A_55, %reduce_max3A_113 : i32
      scf.yield %add3A_106, %max3A_114 : i32, i32
    }
    %scan3A_26 = arith.constant 196 : i32
    %gt3A = arith.constant 0 : i32
    %gt3A_27 = arith.cmpi sgt, %scan3A_25#0, %gt3A : i32
    %add3A_28 = arith.constant 127 : i32
    %add3A_29 = arith.addi %scan3A_25#0, %add3A_28 : i32
    %jit3A = arith.constant 128 : i32
    %div3A = arith.divsi %add3A_29, %jit3A : i32
    %sign3A = arith.constant 0 : i32
    %sign3A_30 = arith.cmpi sgt, %add3A_29, %sign3A : i32
    %sign3A_31 = arith.extui %sign3A_30 : i1 to i32
    %sign3A_32 = arith.constant 0 : i32
    %sign3A_33 = arith.cmpi slt, %add3A_29, %sign3A_32 : i32
    %sign3A_34 = arith.extui %sign3A_33 : i1 to i32
    %sign3A_35 = arith.subi %sign3A_31, %sign3A_34 : i32
    %sign3A_36 = arith.constant 0 : i32
    %sign3A_37 = arith.cmpi sgt, %jit3A, %sign3A_36 : i32
    %sign3A_38 = arith.extui %sign3A_37 : i1 to i32
    %sign3A_39 = arith.constant 0 : i32
    %sign3A_40 = arith.cmpi slt, %jit3A, %sign3A_39 : i32
    %sign3A_41 = arith.extui %sign3A_40 : i1 to i32
    %sign3A_42 = arith.subi %sign3A_38, %sign3A_41 : i32
    %ne3A = arith.cmpi ne, %sign3A_35, %sign3A_42 : i32
    %rem3A = arith.remsi %add3A_29, %jit3A : i32
    %ne3A_43 = arith.constant 0 : i32
    %ne3A_44 = arith.cmpi ne, %rem3A, %ne3A_43 : i32
    %and3A = arith.andi %ne3A, %ne3A_44 : i1
    %sub3A_45 = arith.constant 1 : i32
    %sub3A_46 = arith.subi %div3A, %sub3A_45 : i32
    %select_n3A = arith.select %and3A, %sub3A_46, %div3A : i32
    %jit3A_47 = arith.constant 0 : i32
    %select_n3A_48 = arith.select %gt3A_27, %select_n3A, %jit3A_47 : i32
    %gt3A_49 = arith.constant 0 : i32
    %gt3A_50 = arith.cmpi sgt, %scan3A_25#0, %gt3A_49 : i32
    %convert_element_type3A = arith.extui %gt3A_50 : i1 to i32
    %cond3A = arith.constant 0 : i32
    %cond3A_51 = arith.cmpi ne, %convert_element_type3A, %cond3A : i32
    scf.if %cond3A_51 {
      %shift_right_arithmetic3A = arith.constant 14 : i32
      %shift_right_arithmetic3A_53 = arith.shrsi %scan3A_25#1, %shift_right_arithmetic3A : i32
      %and3A_54 = arith.constant 16383 : i32
      %and3A_55 = arith.andi %scan3A_25#1, %and3A_54 : i32
      %mul3A_56 = arith.constant 128 : i32
      %mul3A_57 = arith.muli %select_n3A_48, %mul3A_56 : i32
      %scan3A_58 = arith.constant 0 : i32
      %scan3A_59 = arith.constant 0 : i32
      %scan3A_60 = arith.constant 8 : i32
      %scan3A_61 = arith.addi %scan3A_59, %scan3A_60 : i32
      %scan3A_62 = arith.constant 1 : i32
      %scan3A_63 = scf.for %scan3A_65 = %scan3A_59 to %scan3A_61 step %scan3A_62 iter_args(%scan3A_66 = %scan3A_58) -> (i32)  : i32 {
        %mul3A_67 = arith.constant 16 : i32
        %mul3A_68 = arith.muli %scan3A_65, %mul3A_67 : i32
        %add3A_69 = arith.addi %scan3A_25#0, %mul3A_68 : i32
        %add3A_70 = vector.broadcast %add3A_69 : i32 to vector<16xi32>
        %add3A_71 = arith.addi %add3A_70, %iota3A : vector<16xi32>
        %lt3A = vector.broadcast %mul3A_57 : i32 to vector<16xi32>
        %lt3A_72 = arith.cmpi slt, %add3A_71, %lt3A : vector<16xi32>
        %min3A_73 = arith.constant 3327 : i32
        %min3A_74 = vector.broadcast %min3A_73 : i32 to vector<16xi32>
        %min3A_75 = arith.minsi %add3A_71, %min3A_74 : vector<16xi32>
        %shift_right_arithmetic3A_76 = arith.constant 7 : i32
        %shift_right_arithmetic3A_77 = vector.broadcast %shift_right_arithmetic3A_76 : i32 to vector<16xi32>
        %shift_right_arithmetic3A_78 = arith.shrsi %min3A_75, %shift_right_arithmetic3A_77 : vector<16xi32>
        %and3A_79 = arith.constant 127 : i32
        %and3A_80 = vector.broadcast %and3A_79 : i32 to vector<16xi32>
        %and3A_81 = arith.andi %min3A_75, %and3A_80 : vector<16xi32>
        %broadcast_in_dim3A_82 = vector.broadcast %shift_right_arithmetic3A_53 : i32 to vector<16xi32>
        tpu.vector_store_idx %arg11[%shift_right_arithmetic3A_78, %and3A_81], %broadcast_in_dim3A_82 masked %lt3A_72 : memref<26x128xi32, #tpu.memory_space<vmem>>[vector<16xi32>, vector<16xi32>], vector<16xi32>, vector<16xi1>
        %broadcast_in_dim3A_83 = vector.broadcast %and3A_55 : i32 to vector<16xi32>
        tpu.vector_store_idx %arg12[%shift_right_arithmetic3A_78, %and3A_81], %broadcast_in_dim3A_83 masked %lt3A_72 : memref<26x128xi32, #tpu.memory_space<vmem>>[vector<16xi32>, vector<16xi32>], vector<16xi32>, vector<16xi1>
        %scan3A_84 = arith.constant 0 : i32
        scf.yield %scan3A_84 : i32
      }
      %scan3A_64 = arith.constant 8 : i32
    } else {
    }
    %broadcast_in_dim3A = vector.broadcast %select_n3A_48 : i32 to vector<16xi32>
    %swap3A = arith.constant 0 : index
    %swap3A_52 = tpu.vector_load %arg13[%swap3A] {strides = array<i32>} : memref<16xi32, #tpu.memory_space<vmem>>, vector<16xi32>,
    tpu.vector_store %arg13[%swap3A], %broadcast_in_dim3A {strides = array<i32>} : memref<16xi32, #tpu.memory_space<vmem>>, vector<16xi32>,
    "tpu.region"() ({
      %run_scoped3A = tpu.sem_alloc : memref<!tpu.dma_semaphore, #tpu.memory_space<semaphore_mem>>
      %dma_start3A = arith.constant 0 : i32
      %dma_start3A_53 = arith.constant 0 : i32
      %dma_start3A_54 = tpu.memref_slice %arg3[%add3A, %dma_start3A, %dma_start3A_53] : memref<32x26x128xi32, #tpu.memory_space<hbm>> -> memref<1x26x128xi32, #tpu.memory_space<hbm>>
      %dma_start3A_55 = tpu.memref_squeeze %dma_start3A_54 : memref<1x26x128xi32, #tpu.memory_space<hbm>> -> memref<26x128xi32, #tpu.memory_space<hbm>>
      %dma_start3A_56 = arith.constant 0 : i32
      %dma_start3A_57 = arith.constant 0 : i32
      %dma_start3A_58 = tpu.memref_slice %arg3[%add3A, %dma_start3A_56, %dma_start3A_57] : memref<32x26x128xi32, #tpu.memory_space<hbm>> -> memref<1x26x128xi32, #tpu.memory_space<hbm>>
      %dma_start3A_59 = tpu.memref_squeeze %dma_start3A_58 : memref<1x26x128xi32, #tpu.memory_space<hbm>> -> memref<26x128xi32, #tpu.memory_space<hbm>>
      tpu.enqueue_dma source(%arg11 : memref<26x128xi32, #tpu.memory_space<vmem>>) target(%dma_start3A_59 : memref<26x128xi32, #tpu.memory_space<hbm>>) target_semaphore(%run_scoped3A : memref<!tpu.dma_semaphore, #tpu.memory_space<semaphore_mem>>)
      %dma_wait3A = arith.constant 0 : i32
      %dma_wait3A_60 = arith.constant 0 : i32
      %dma_wait3A_61 = tpu.memref_slice %arg3[%add3A, %dma_wait3A, %dma_wait3A_60] : memref<32x26x128xi32, #tpu.memory_space<hbm>> -> memref<1x26x128xi32, #tpu.memory_space<hbm>>
      %dma_wait3A_62 = tpu.memref_squeeze %dma_wait3A_61 : memref<1x26x128xi32, #tpu.memory_space<hbm>> -> memref<26x128xi32, #tpu.memory_space<hbm>>
      %dma_wait3A_63 = arith.constant 0 : i32
      %dma_wait3A_64 = arith.constant 0 : i32
      %dma_wait3A_65 = tpu.memref_slice %arg3[%add3A, %dma_wait3A_63, %dma_wait3A_64] : memref<32x26x128xi32, #tpu.memory_space<hbm>> -> memref<1x26x128xi32, #tpu.memory_space<hbm>>
      %dma_wait3A_66 = tpu.memref_squeeze %dma_wait3A_65 : memref<1x26x128xi32, #tpu.memory_space<hbm>> -> memref<26x128xi32, #tpu.memory_space<hbm>>
      tpu.wait_dma2 semaphore(%run_scoped3A : memref<!tpu.dma_semaphore, #tpu.memory_space<semaphore_mem>>) src(%arg11 : memref<26x128xi32, #tpu.memory_space<vmem>>) dst(%dma_wait3A_66 : memref<26x128xi32, #tpu.memory_space<hbm>>)
      tpu.yield
    }) : () -> ()
    "tpu.region"() ({
      %run_scoped3A = tpu.sem_alloc : memref<!tpu.dma_semaphore, #tpu.memory_space<semaphore_mem>>
      %dma_start3A = arith.constant 0 : i32
      %dma_start3A_53 = arith.constant 0 : i32
      %dma_start3A_54 = tpu.memref_slice %arg4[%add3A, %dma_start3A, %dma_start3A_53] : memref<32x26x128xi32, #tpu.memory_space<hbm>> -> memref<1x26x128xi32, #tpu.memory_space<hbm>>
      %dma_start3A_55 = tpu.memref_squeeze %dma_start3A_54 : memref<1x26x128xi32, #tpu.memory_space<hbm>> -> memref<26x128xi32, #tpu.memory_space<hbm>>
      %dma_start3A_56 = arith.constant 0 : i32
      %dma_start3A_57 = arith.constant 0 : i32
      %dma_start3A_58 = tpu.memref_slice %arg4[%add3A, %dma_start3A_56, %dma_start3A_57] : memref<32x26x128xi32, #tpu.memory_space<hbm>> -> memref<1x26x128xi32, #tpu.memory_space<hbm>>
      %dma_start3A_59 = tpu.memref_squeeze %dma_start3A_58 : memref<1x26x128xi32, #tpu.memory_space<hbm>> -> memref<26x128xi32, #tpu.memory_space<hbm>>
      tpu.enqueue_dma source(%arg12 : memref<26x128xi32, #tpu.memory_space<vmem>>) target(%dma_start3A_59 : memref<26x128xi32, #tpu.memory_space<hbm>>) target_semaphore(%run_scoped3A : memref<!tpu.dma_semaphore, #tpu.memory_space<semaphore_mem>>)
      %dma_wait3A = arith.constant 0 : i32
      %dma_wait3A_60 = arith.constant 0 : i32
      %dma_wait3A_61 = tpu.memref_slice %arg4[%add3A, %dma_wait3A, %dma_wait3A_60] : memref<32x26x128xi32, #tpu.memory_space<hbm>> -> memref<1x26x128xi32, #tpu.memory_space<hbm>>
      %dma_wait3A_62 = tpu.memref_squeeze %dma_wait3A_61 : memref<1x26x128xi32, #tpu.memory_space<hbm>> -> memref<26x128xi32, #tpu.memory_space<hbm>>
      %dma_wait3A_63 = arith.constant 0 : i32
      %dma_wait3A_64 = arith.constant 0 : i32
      %dma_wait3A_65 = tpu.memref_slice %arg4[%add3A, %dma_wait3A_63, %dma_wait3A_64] : memref<32x26x128xi32, #tpu.memory_space<hbm>> -> memref<1x26x128xi32, #tpu.memory_space<hbm>>
      %dma_wait3A_66 = tpu.memref_squeeze %dma_wait3A_65 : memref<1x26x128xi32, #tpu.memory_space<hbm>> -> memref<26x128xi32, #tpu.memory_space<hbm>>
      tpu.wait_dma2 semaphore(%run_scoped3A : memref<!tpu.dma_semaphore, #tpu.memory_space<semaphore_mem>>) src(%arg12 : memref<26x128xi32, #tpu.memory_space<vmem>>) dst(%dma_wait3A_66 : memref<26x128xi32, #tpu.memory_space<hbm>>)
      tpu.yield
    }) : () -> ()
    "tpu.region"() ({
      %run_scoped3A = tpu.sem_alloc : memref<!tpu.dma_semaphore, #tpu.memory_space<semaphore_mem>>
      %dma_start3A = arith.constant 0 : i32
      %dma_start3A_53 = tpu.memref_slice %arg5[%add3A, %dma_start3A] : memref<32x16xi32, #tpu.memory_space<hbm>> -> memref<1x16xi32, #tpu.memory_space<hbm>>
      %dma_start3A_54 = tpu.memref_squeeze %dma_start3A_53 : memref<1x16xi32, #tpu.memory_space<hbm>> -> memref<16xi32, #tpu.memory_space<hbm>>
      %dma_start3A_55 = arith.constant 0 : i32
      %dma_start3A_56 = tpu.memref_slice %arg5[%add3A, %dma_start3A_55] : memref<32x16xi32, #tpu.memory_space<hbm>> -> memref<1x16xi32, #tpu.memory_space<hbm>>
      %dma_start3A_57 = tpu.memref_squeeze %dma_start3A_56 : memref<1x16xi32, #tpu.memory_space<hbm>> -> memref<16xi32, #tpu.memory_space<hbm>>
      tpu.enqueue_dma source(%arg13 : memref<16xi32, #tpu.memory_space<vmem>>) target(%dma_start3A_57 : memref<16xi32, #tpu.memory_space<hbm>>) target_semaphore(%run_scoped3A : memref<!tpu.dma_semaphore, #tpu.memory_space<semaphore_mem>>)
      %dma_wait3A = arith.constant 0 : i32
      %dma_wait3A_58 = tpu.memref_slice %arg5[%add3A, %dma_wait3A] : memref<32x16xi32, #tpu.memory_space<hbm>> -> memref<1x16xi32, #tpu.memory_space<hbm>>
      %dma_wait3A_59 = tpu.memref_squeeze %dma_wait3A_58 : memref<1x16xi32, #tpu.memory_space<hbm>> -> memref<16xi32, #tpu.memory_space<hbm>>
      %dma_wait3A_60 = arith.constant 0 : i32
      %dma_wait3A_61 = tpu.memref_slice %arg5[%add3A, %dma_wait3A_60] : memref<32x16xi32, #tpu.memory_space<hbm>> -> memref<1x16xi32, #tpu.memory_space<hbm>>
      %dma_wait3A_62 = tpu.memref_squeeze %dma_wait3A_61 : memref<1x16xi32, #tpu.memory_space<hbm>> -> memref<16xi32, #tpu.memory_space<hbm>>
      tpu.wait_dma2 semaphore(%run_scoped3A : memref<!tpu.dma_semaphore, #tpu.memory_space<semaphore_mem>>) src(%arg13 : memref<16xi32, #tpu.memory_space<vmem>>) dst(%dma_wait3A_62 : memref<16xi32, #tpu.memory_space<hbm>>)
      tpu.yield
    }) : () -> ()
    return
  }
}

#map = affine_map<(d0, d1) -> (0, 0, 0)>
#map1 = affine_map<(d0, d1) -> (0, 0)>
module attributes {stable_mosaic.version = 14 : i64} {
  func.func @new_body(%arg0: i32, %arg1: i32, %arg2: memref<32x26x128xi32, #tpu.memory_space<hbm>>, %arg3: memref<32x26x128xi32, #tpu.memory_space<hbm>>, %arg4: memref<32x16xi32, #tpu.memory_space<hbm>>, %arg5: memref<16384x128xf32, #tpu.memory_space<hbm>>, %arg6: memref<100000x128xf32, #tpu.memory_space<hbm>>, %arg7: memref<100000x128xf32, #tpu.memory_space<hbm>>, %arg8: memref<26x128xi32, #tpu.memory_space<vmem>>, %arg9: memref<26x128xi32, #tpu.memory_space<vmem>>, %arg10: memref<16xi32, #tpu.memory_space<vmem>>, %arg11: memref<128x128xf32, #tpu.memory_space<vmem>>, %arg12: memref<128x128xf32, #tpu.memory_space<vmem>>, %arg13: memref<!tpu.dma_semaphore, #tpu.memory_space<semaphore_mem>>, %arg14: memref<!tpu.dma_semaphore, #tpu.memory_space<semaphore_mem>>, %arg15: memref<!tpu.dma_semaphore, #tpu.memory_space<semaphore_mem>>, %arg16: memref<!tpu.dma_semaphore, #tpu.memory_space<semaphore_mem>>) attributes {dimension_semantics = [#tpu.dimension_semantics<core_parallel>, #tpu.dimension_semantics<subcore_parallel>], iteration_bounds = array<i64: 2, 16>, scalar_prefetch = 0 : i64, scratch_operands = 9 : i64, tpu.core_type = #tpu.core_type<sc_vector_subcore>, window_params = [{transform_indices = #map}, {transform_indices = #map}, {transform_indices = #map1}, {transform_indices = #map1}, {transform_indices = #map1}, {transform_indices = #map1}]} {
    %mul3A = arith.constant 2 : i32
    %mul3A_0 = arith.muli %arg1, %mul3A : i32
    %add3A = arith.addi %mul3A_0, %arg0 : i32
    "tpu.region"() ({
      %run_scoped3A = tpu.sem_alloc : memref<!tpu.dma_semaphore, #tpu.memory_space<semaphore_mem>>
      %dma_start3A = arith.constant 0 : i32
      %dma_start3A_15 = tpu.memref_slice %arg4[%add3A, %dma_start3A] : memref<32x16xi32, #tpu.memory_space<hbm>> -> memref<1x16xi32, #tpu.memory_space<hbm>>
      %dma_start3A_16 = tpu.memref_squeeze %dma_start3A_15 : memref<1x16xi32, #tpu.memory_space<hbm>> -> memref<16xi32, #tpu.memory_space<hbm>>
      %dma_start3A_17 = arith.constant 0 : i32
      %dma_start3A_18 = tpu.memref_slice %arg4[%add3A, %dma_start3A_17] : memref<32x16xi32, #tpu.memory_space<hbm>> -> memref<1x16xi32, #tpu.memory_space<hbm>>
      %dma_start3A_19 = tpu.memref_squeeze %dma_start3A_18 : memref<1x16xi32, #tpu.memory_space<hbm>> -> memref<16xi32, #tpu.memory_space<hbm>>
      tpu.enqueue_dma source(%dma_start3A_19 : memref<16xi32, #tpu.memory_space<hbm>>) target(%arg10 : memref<16xi32, #tpu.memory_space<vmem>>) target_semaphore(%run_scoped3A : memref<!tpu.dma_semaphore, #tpu.memory_space<semaphore_mem>>)
      %dma_wait3A = arith.constant 0 : i32
      %dma_wait3A_20 = tpu.memref_slice %arg4[%add3A, %dma_wait3A] : memref<32x16xi32, #tpu.memory_space<hbm>> -> memref<1x16xi32, #tpu.memory_space<hbm>>
      %dma_wait3A_21 = tpu.memref_squeeze %dma_wait3A_20 : memref<1x16xi32, #tpu.memory_space<hbm>> -> memref<16xi32, #tpu.memory_space<hbm>>
      %dma_wait3A_22 = arith.constant 0 : i32
      %dma_wait3A_23 = tpu.memref_slice %arg4[%add3A, %dma_wait3A_22] : memref<32x16xi32, #tpu.memory_space<hbm>> -> memref<1x16xi32, #tpu.memory_space<hbm>>
      %dma_wait3A_24 = tpu.memref_squeeze %dma_wait3A_23 : memref<1x16xi32, #tpu.memory_space<hbm>> -> memref<16xi32, #tpu.memory_space<hbm>>
      tpu.wait_dma2 semaphore(%run_scoped3A : memref<!tpu.dma_semaphore, #tpu.memory_space<semaphore_mem>>) src(%dma_wait3A_24 : memref<16xi32, #tpu.memory_space<hbm>>) dst(%arg10 : memref<16xi32, #tpu.memory_space<vmem>>)
      tpu.yield
    }) : () -> ()
    "tpu.region"() ({
      %run_scoped3A = tpu.sem_alloc : memref<!tpu.dma_semaphore, #tpu.memory_space<semaphore_mem>>
      %dma_start3A = arith.constant 0 : i32
      %dma_start3A_15 = arith.constant 0 : i32
      %dma_start3A_16 = tpu.memref_slice %arg2[%add3A, %dma_start3A, %dma_start3A_15] : memref<32x26x128xi32, #tpu.memory_space<hbm>> -> memref<1x26x128xi32, #tpu.memory_space<hbm>>
      %dma_start3A_17 = tpu.memref_squeeze %dma_start3A_16 : memref<1x26x128xi32, #tpu.memory_space<hbm>> -> memref<26x128xi32, #tpu.memory_space<hbm>>
      %dma_start3A_18 = arith.constant 0 : i32
      %dma_start3A_19 = arith.constant 0 : i32
      %dma_start3A_20 = tpu.memref_slice %arg2[%add3A, %dma_start3A_18, %dma_start3A_19] : memref<32x26x128xi32, #tpu.memory_space<hbm>> -> memref<1x26x128xi32, #tpu.memory_space<hbm>>
      %dma_start3A_21 = tpu.memref_squeeze %dma_start3A_20 : memref<1x26x128xi32, #tpu.memory_space<hbm>> -> memref<26x128xi32, #tpu.memory_space<hbm>>
      tpu.enqueue_dma source(%dma_start3A_21 : memref<26x128xi32, #tpu.memory_space<hbm>>) target(%arg8 : memref<26x128xi32, #tpu.memory_space<vmem>>) target_semaphore(%run_scoped3A : memref<!tpu.dma_semaphore, #tpu.memory_space<semaphore_mem>>)
      %dma_wait3A = arith.constant 0 : i32
      %dma_wait3A_22 = arith.constant 0 : i32
      %dma_wait3A_23 = tpu.memref_slice %arg2[%add3A, %dma_wait3A, %dma_wait3A_22] : memref<32x26x128xi32, #tpu.memory_space<hbm>> -> memref<1x26x128xi32, #tpu.memory_space<hbm>>
      %dma_wait3A_24 = tpu.memref_squeeze %dma_wait3A_23 : memref<1x26x128xi32, #tpu.memory_space<hbm>> -> memref<26x128xi32, #tpu.memory_space<hbm>>
      %dma_wait3A_25 = arith.constant 0 : i32
      %dma_wait3A_26 = arith.constant 0 : i32
      %dma_wait3A_27 = tpu.memref_slice %arg2[%add3A, %dma_wait3A_25, %dma_wait3A_26] : memref<32x26x128xi32, #tpu.memory_space<hbm>> -> memref<1x26x128xi32, #tpu.memory_space<hbm>>
      %dma_wait3A_28 = tpu.memref_squeeze %dma_wait3A_27 : memref<1x26x128xi32, #tpu.memory_space<hbm>> -> memref<26x128xi32, #tpu.memory_space<hbm>>
      tpu.wait_dma2 semaphore(%run_scoped3A : memref<!tpu.dma_semaphore, #tpu.memory_space<semaphore_mem>>) src(%dma_wait3A_28 : memref<26x128xi32, #tpu.memory_space<hbm>>) dst(%arg8 : memref<26x128xi32, #tpu.memory_space<vmem>>)
      tpu.yield
    }) : () -> ()
    "tpu.region"() ({
      %run_scoped3A = tpu.sem_alloc : memref<!tpu.dma_semaphore, #tpu.memory_space<semaphore_mem>>
      %dma_start3A = arith.constant 0 : i32
      %dma_start3A_15 = arith.constant 0 : i32
      %dma_start3A_16 = tpu.memref_slice %arg3[%add3A, %dma_start3A, %dma_start3A_15] : memref<32x26x128xi32, #tpu.memory_space<hbm>> -> memref<1x26x128xi32, #tpu.memory_space<hbm>>
      %dma_start3A_17 = tpu.memref_squeeze %dma_start3A_16 : memref<1x26x128xi32, #tpu.memory_space<hbm>> -> memref<26x128xi32, #tpu.memory_space<hbm>>
      %dma_start3A_18 = arith.constant 0 : i32
      %dma_start3A_19 = arith.constant 0 : i32
      %dma_start3A_20 = tpu.memref_slice %arg3[%add3A, %dma_start3A_18, %dma_start3A_19] : memref<32x26x128xi32, #tpu.memory_space<hbm>> -> memref<1x26x128xi32, #tpu.memory_space<hbm>>
      %dma_start3A_21 = tpu.memref_squeeze %dma_start3A_20 : memref<1x26x128xi32, #tpu.memory_space<hbm>> -> memref<26x128xi32, #tpu.memory_space<hbm>>
      tpu.enqueue_dma source(%dma_start3A_21 : memref<26x128xi32, #tpu.memory_space<hbm>>) target(%arg9 : memref<26x128xi32, #tpu.memory_space<vmem>>) target_semaphore(%run_scoped3A : memref<!tpu.dma_semaphore, #tpu.memory_space<semaphore_mem>>)
      %dma_wait3A = arith.constant 0 : i32
      %dma_wait3A_22 = arith.constant 0 : i32
      %dma_wait3A_23 = tpu.memref_slice %arg3[%add3A, %dma_wait3A, %dma_wait3A_22] : memref<32x26x128xi32, #tpu.memory_space<hbm>> -> memref<1x26x128xi32, #tpu.memory_space<hbm>>
      %dma_wait3A_24 = tpu.memref_squeeze %dma_wait3A_23 : memref<1x26x128xi32, #tpu.memory_space<hbm>> -> memref<26x128xi32, #tpu.memory_space<hbm>>
      %dma_wait3A_25 = arith.constant 0 : i32
      %dma_wait3A_26 = arith.constant 0 : i32
      %dma_wait3A_27 = tpu.memref_slice %arg3[%add3A, %dma_wait3A_25, %dma_wait3A_26] : memref<32x26x128xi32, #tpu.memory_space<hbm>> -> memref<1x26x128xi32, #tpu.memory_space<hbm>>
      %dma_wait3A_28 = tpu.memref_squeeze %dma_wait3A_27 : memref<1x26x128xi32, #tpu.memory_space<hbm>> -> memref<26x128xi32, #tpu.memory_space<hbm>>
      tpu.wait_dma2 semaphore(%run_scoped3A : memref<!tpu.dma_semaphore, #tpu.memory_space<semaphore_mem>>) src(%dma_wait3A_28 : memref<26x128xi32, #tpu.memory_space<hbm>>) dst(%arg9 : memref<26x128xi32, #tpu.memory_space<vmem>>)
      tpu.yield
    }) : () -> ()
    %get3A = arith.constant 0 : index
    %get3A_1 = tpu.vector_load %arg10[%get3A] {strides = array<i32>} : memref<16xi32, #tpu.memory_space<vmem>>, vector<16xi32>,
    %slice3A = vector.extract_strided_slice %get3A_1 {offsets = [0], sizes = [1], strides = [1]} : vector<16xi32> to vector<1xi32>
    %squeeze3A = vector.extract %slice3A[0] : i32 from vector<1xi32>
    %gt3A = arith.constant 0 : i32
    %gt3A_2 = arith.cmpi sgt, %squeeze3A, %gt3A : i32
    %convert_element_type3A = arith.extui %gt3A_2 : i1 to i32
    %cond3A = arith.constant 0 : i32
    %cond3A_3 = arith.cmpi ne, %convert_element_type3A, %cond3A : i32
    scf.if %cond3A_3 {
      %dma_start3A = arith.constant 0 : i32
      %dma_start3A_15 = arith.constant 0 : i32
      %dma_start3A_16 = tpu.memref_slice %arg9[%dma_start3A, %dma_start3A_15] : memref<26x128xi32, #tpu.memory_space<vmem>> -> memref<1x128xi32, #tpu.memory_space<vmem>>
      %dma_start3A_17 = tpu.memref_squeeze %dma_start3A_16 : memref<1x128xi32, #tpu.memory_space<vmem>> -> memref<128xi32, #tpu.memory_space<vmem>>
      %dma_start3A_18 = arith.constant 0 : i32
      %dma_start3A_19 = arith.constant 0 : i32
      %dma_start3A_20 = tpu.memref_slice %arg5[%dma_start3A_18, %dma_start3A_19] : memref<16384x128xf32, #tpu.memory_space<hbm>> -> memref<16384x128xf32, #tpu.memory_space<hbm>>
      tpu.enqueue_indirect_dma source(%dma_start3A_20 : memref<16384x128xf32, #tpu.memory_space<hbm>>) target(%arg11 : memref<128x128xf32, #tpu.memory_space<vmem>>) offsets(%dma_start3A_17 : memref<128xi32, #tpu.memory_space<vmem>>) semaphore(%arg13 : memref<!tpu.dma_semaphore, #tpu.memory_space<semaphore_mem>>)
    } else {
    }
    %gt3A_4 = arith.constant 1 : i32
    %gt3A_5 = arith.cmpi sgt, %squeeze3A, %gt3A_4 : i32
    %convert_element_type3A_6 = arith.extui %gt3A_5 : i1 to i32
    %cond3A_7 = arith.constant 0 : i32
    %cond3A_8 = arith.cmpi ne, %convert_element_type3A_6, %cond3A_7 : i32
    scf.if %cond3A_8 {
      %dma_start3A = arith.constant 1 : i32
      %dma_start3A_15 = arith.constant 0 : i32
      %dma_start3A_16 = tpu.memref_slice %arg9[%dma_start3A, %dma_start3A_15] : memref<26x128xi32, #tpu.memory_space<vmem>> -> memref<1x128xi32, #tpu.memory_space<vmem>>
      %dma_start3A_17 = tpu.memref_squeeze %dma_start3A_16 : memref<1x128xi32, #tpu.memory_space<vmem>> -> memref<128xi32, #tpu.memory_space<vmem>>
      %dma_start3A_18 = arith.constant 0 : i32
      %dma_start3A_19 = arith.constant 0 : i32
      %dma_start3A_20 = tpu.memref_slice %arg5[%dma_start3A_18, %dma_start3A_19] : memref<16384x128xf32, #tpu.memory_space<hbm>> -> memref<16384x128xf32, #tpu.memory_space<hbm>>
      tpu.enqueue_indirect_dma source(%dma_start3A_20 : memref<16384x128xf32, #tpu.memory_space<hbm>>) target(%arg12 : memref<128x128xf32, #tpu.memory_space<vmem>>) offsets(%dma_start3A_17 : memref<128xi32, #tpu.memory_space<vmem>>) semaphore(%arg14 : memref<!tpu.dma_semaphore, #tpu.memory_space<semaphore_mem>>)
    } else {
    }
    %scan3A = arith.constant 0 : i32
    %scan3A_9 = arith.constant 0 : i32
    %scan3A_10 = arith.constant 13 : i32
    %scan3A_11 = arith.addi %scan3A_9, %scan3A_10 : i32
    %scan3A_12 = arith.constant 1 : i32
    %scan3A_13 = scf.for %scan3A_15 = %scan3A_9 to %scan3A_11 step %scan3A_12 iter_args(%scan3A_16 = %scan3A) -> (i32)  : i32 {
      %mul3A_17 = arith.constant 2 : i32
      %mul3A_18 = arith.muli %scan3A_15, %mul3A_17 : i32
      %add3A_19 = arith.constant 0 : i32
      %add3A_20 = arith.addi %mul3A_18, %add3A_19 : i32
      %lt3A = arith.cmpi slt, %add3A_20, %squeeze3A : i32
      %convert_element_type3A_21 = arith.extui %lt3A : i1 to i32
      %cond3A_22 = arith.constant 0 : i32
      %cond3A_23 = arith.cmpi ne, %convert_element_type3A_21, %cond3A_22 : i32
      scf.if %cond3A_23 {
        %dma_wait3A = arith.constant 0 : i32
        %dma_wait3A_33 = arith.constant 0 : i32
        %dma_wait3A_34 = tpu.memref_slice %arg9[%dma_wait3A, %dma_wait3A_33] : memref<26x128xi32, #tpu.memory_space<vmem>> -> memref<1x128xi32, #tpu.memory_space<vmem>>
        %dma_wait3A_35 = tpu.memref_squeeze %dma_wait3A_34 : memref<1x128xi32, #tpu.memory_space<vmem>> -> memref<128xi32, #tpu.memory_space<vmem>>
        %dma_wait3A_36 = arith.constant 0 : i32
        %dma_wait3A_37 = arith.constant 0 : i32
        %dma_wait3A_38 = tpu.memref_slice %arg5[%dma_wait3A_36, %dma_wait3A_37] : memref<16384x128xf32, #tpu.memory_space<hbm>> -> memref<16384x128xf32, #tpu.memory_space<hbm>>
        tpu.wait_indirect_dma semaphore(%arg13 : memref<!tpu.dma_semaphore, #tpu.memory_space<semaphore_mem>>) src(%dma_wait3A_38 : memref<16384x128xf32, #tpu.memory_space<hbm>>) dst(%arg11 : memref<128x128xf32, #tpu.memory_space<vmem>>)
        %dma_start3A = arith.constant 0 : i32
        %dma_start3A_39 = tpu.memref_slice %arg8[%add3A_20, %dma_start3A] : memref<26x128xi32, #tpu.memory_space<vmem>> -> memref<1x128xi32, #tpu.memory_space<vmem>>
        %dma_start3A_40 = tpu.memref_squeeze %dma_start3A_39 : memref<1x128xi32, #tpu.memory_space<vmem>> -> memref<128xi32, #tpu.memory_space<vmem>>
        %dma_start3A_41 = arith.constant 0 : i32
        %dma_start3A_42 = arith.constant 0 : i32
        %dma_start3A_43 = tpu.memref_slice %arg6[%dma_start3A_41, %dma_start3A_42] : memref<100000x128xf32, #tpu.memory_space<hbm>> -> memref<100000x128xf32, #tpu.memory_space<hbm>>
        tpu.enqueue_indirect_dma source(%arg11 : memref<128x128xf32, #tpu.memory_space<vmem>>) target(%dma_start3A_43 : memref<100000x128xf32, #tpu.memory_space<hbm>>) offsets(%dma_start3A_40 : memref<128xi32, #tpu.memory_space<vmem>>) semaphore(%arg15 : memref<!tpu.dma_semaphore, #tpu.memory_space<semaphore_mem>>)
        %dma_wait3A_44 = arith.constant 0 : i32
        %dma_wait3A_45 = arith.constant 0 : i32
        %dma_wait3A_46 = tpu.memref_slice %arg8[%dma_wait3A_44, %dma_wait3A_45] : memref<26x128xi32, #tpu.memory_space<vmem>> -> memref<1x128xi32, #tpu.memory_space<vmem>>
        %dma_wait3A_47 = tpu.memref_squeeze %dma_wait3A_46 : memref<1x128xi32, #tpu.memory_space<vmem>> -> memref<128xi32, #tpu.memory_space<vmem>>
        %dma_wait3A_48 = arith.constant 0 : i32
        %dma_wait3A_49 = arith.constant 0 : i32
        %dma_wait3A_50 = tpu.memref_slice %arg6[%dma_wait3A_48, %dma_wait3A_49] : memref<100000x128xf32, #tpu.memory_space<hbm>> -> memref<100000x128xf32, #tpu.memory_space<hbm>>
        tpu.wait_indirect_dma semaphore(%arg15 : memref<!tpu.dma_semaphore, #tpu.memory_space<semaphore_mem>>) src(%arg11 : memref<128x128xf32, #tpu.memory_space<vmem>>) dst(%dma_wait3A_50 : memref<100000x128xf32, #tpu.memory_space<hbm>>)
        %add3A_51 = arith.constant 2 : i32
        %add3A_52 = arith.addi %add3A_20, %add3A_51 : i32
        %lt3A_53 = arith.cmpi slt, %add3A_52, %squeeze3A : i32
        %convert_element_type3A_54 = arith.extui %lt3A_53 : i1 to i32
        %cond3A_55 = arith.constant 0 : i32
        %cond3A_56 = arith.cmpi ne, %convert_element_type3A_54, %cond3A_55 : i32
        scf.if %cond3A_56 {
          %add3A_57 = arith.constant 2 : i32
          %add3A_58 = arith.addi %add3A_20, %add3A_57 : i32
          %dma_start3A_59 = arith.constant 0 : i32
          %dma_start3A_60 = tpu.memref_slice %arg9[%add3A_58, %dma_start3A_59] : memref<26x128xi32, #tpu.memory_space<vmem>> -> memref<1x128xi32, #tpu.memory_space<vmem>>
          %dma_start3A_61 = tpu.memref_squeeze %dma_start3A_60 : memref<1x128xi32, #tpu.memory_space<vmem>> -> memref<128xi32, #tpu.memory_space<vmem>>
          %dma_start3A_62 = arith.constant 0 : i32
          %dma_start3A_63 = arith.constant 0 : i32
          %dma_start3A_64 = tpu.memref_slice %arg5[%dma_start3A_62, %dma_start3A_63] : memref<16384x128xf32, #tpu.memory_space<hbm>> -> memref<16384x128xf32, #tpu.memory_space<hbm>>
          tpu.enqueue_indirect_dma source(%dma_start3A_64 : memref<16384x128xf32, #tpu.memory_space<hbm>>) target(%arg11 : memref<128x128xf32, #tpu.memory_space<vmem>>) offsets(%dma_start3A_61 : memref<128xi32, #tpu.memory_space<vmem>>) semaphore(%arg13 : memref<!tpu.dma_semaphore, #tpu.memory_space<semaphore_mem>>)
        } else {
        }
      } else {
      }
      %mul3A_24 = arith.constant 2 : i32
      %mul3A_25 = arith.muli %scan3A_15, %mul3A_24 : i32
      %add3A_26 = arith.constant 1 : i32
      %add3A_27 = arith.addi %mul3A_25, %add3A_26 : i32
      %lt3A_28 = arith.cmpi slt, %add3A_27, %squeeze3A : i32
      %convert_element_type3A_29 = arith.extui %lt3A_28 : i1 to i32
      %cond3A_30 = arith.constant 0 : i32
      %cond3A_31 = arith.cmpi ne, %convert_element_type3A_29, %cond3A_30 : i32
      scf.if %cond3A_31 {
        %dma_wait3A = arith.constant 0 : i32
        %dma_wait3A_33 = arith.constant 0 : i32
        %dma_wait3A_34 = tpu.memref_slice %arg9[%dma_wait3A, %dma_wait3A_33] : memref<26x128xi32, #tpu.memory_space<vmem>> -> memref<1x128xi32, #tpu.memory_space<vmem>>
        %dma_wait3A_35 = tpu.memref_squeeze %dma_wait3A_34 : memref<1x128xi32, #tpu.memory_space<vmem>> -> memref<128xi32, #tpu.memory_space<vmem>>
        %dma_wait3A_36 = arith.constant 0 : i32
        %dma_wait3A_37 = arith.constant 0 : i32
        %dma_wait3A_38 = tpu.memref_slice %arg5[%dma_wait3A_36, %dma_wait3A_37] : memref<16384x128xf32, #tpu.memory_space<hbm>> -> memref<16384x128xf32, #tpu.memory_space<hbm>>
        tpu.wait_indirect_dma semaphore(%arg14 : memref<!tpu.dma_semaphore, #tpu.memory_space<semaphore_mem>>) src(%dma_wait3A_38 : memref<16384x128xf32, #tpu.memory_space<hbm>>) dst(%arg12 : memref<128x128xf32, #tpu.memory_space<vmem>>)
        %dma_start3A = arith.constant 0 : i32
        %dma_start3A_39 = tpu.memref_slice %arg8[%add3A_27, %dma_start3A] : memref<26x128xi32, #tpu.memory_space<vmem>> -> memref<1x128xi32, #tpu.memory_space<vmem>>
        %dma_start3A_40 = tpu.memref_squeeze %dma_start3A_39 : memref<1x128xi32, #tpu.memory_space<vmem>> -> memref<128xi32, #tpu.memory_space<vmem>>
        %dma_start3A_41 = arith.constant 0 : i32
        %dma_start3A_42 = arith.constant 0 : i32
        %dma_start3A_43 = tpu.memref_slice %arg6[%dma_start3A_41, %dma_start3A_42] : memref<100000x128xf32, #tpu.memory_space<hbm>> -> memref<100000x128xf32, #tpu.memory_space<hbm>>
        tpu.enqueue_indirect_dma source(%arg12 : memref<128x128xf32, #tpu.memory_space<vmem>>) target(%dma_start3A_43 : memref<100000x128xf32, #tpu.memory_space<hbm>>) offsets(%dma_start3A_40 : memref<128xi32, #tpu.memory_space<vmem>>) semaphore(%arg16 : memref<!tpu.dma_semaphore, #tpu.memory_space<semaphore_mem>>)
        %dma_wait3A_44 = arith.constant 0 : i32
        %dma_wait3A_45 = arith.constant 0 : i32
        %dma_wait3A_46 = tpu.memref_slice %arg8[%dma_wait3A_44, %dma_wait3A_45] : memref<26x128xi32, #tpu.memory_space<vmem>> -> memref<1x128xi32, #tpu.memory_space<vmem>>
        %dma_wait3A_47 = tpu.memref_squeeze %dma_wait3A_46 : memref<1x128xi32, #tpu.memory_space<vmem>> -> memref<128xi32, #tpu.memory_space<vmem>>
        %dma_wait3A_48 = arith.constant 0 : i32
        %dma_wait3A_49 = arith.constant 0 : i32
        %dma_wait3A_50 = tpu.memref_slice %arg6[%dma_wait3A_48, %dma_wait3A_49] : memref<100000x128xf32, #tpu.memory_space<hbm>> -> memref<100000x128xf32, #tpu.memory_space<hbm>>
        tpu.wait_indirect_dma semaphore(%arg16 : memref<!tpu.dma_semaphore, #tpu.memory_space<semaphore_mem>>) src(%arg12 : memref<128x128xf32, #tpu.memory_space<vmem>>) dst(%dma_wait3A_50 : memref<100000x128xf32, #tpu.memory_space<hbm>>)
        %add3A_51 = arith.constant 2 : i32
        %add3A_52 = arith.addi %add3A_27, %add3A_51 : i32
        %lt3A_53 = arith.cmpi slt, %add3A_52, %squeeze3A : i32
        %convert_element_type3A_54 = arith.extui %lt3A_53 : i1 to i32
        %cond3A_55 = arith.constant 0 : i32
        %cond3A_56 = arith.cmpi ne, %convert_element_type3A_54, %cond3A_55 : i32
        scf.if %cond3A_56 {
          %add3A_57 = arith.constant 2 : i32
          %add3A_58 = arith.addi %add3A_27, %add3A_57 : i32
          %dma_start3A_59 = arith.constant 0 : i32
          %dma_start3A_60 = tpu.memref_slice %arg9[%add3A_58, %dma_start3A_59] : memref<26x128xi32, #tpu.memory_space<vmem>> -> memref<1x128xi32, #tpu.memory_space<vmem>>
          %dma_start3A_61 = tpu.memref_squeeze %dma_start3A_60 : memref<1x128xi32, #tpu.memory_space<vmem>> -> memref<128xi32, #tpu.memory_space<vmem>>
          %dma_start3A_62 = arith.constant 0 : i32
          %dma_start3A_63 = arith.constant 0 : i32
          %dma_start3A_64 = tpu.memref_slice %arg5[%dma_start3A_62, %dma_start3A_63] : memref<16384x128xf32, #tpu.memory_space<hbm>> -> memref<16384x128xf32, #tpu.memory_space<hbm>>
          tpu.enqueue_indirect_dma source(%dma_start3A_64 : memref<16384x128xf32, #tpu.memory_space<hbm>>) target(%arg12 : memref<128x128xf32, #tpu.memory_space<vmem>>) offsets(%dma_start3A_61 : memref<128xi32, #tpu.memory_space<vmem>>) semaphore(%arg14 : memref<!tpu.dma_semaphore, #tpu.memory_space<semaphore_mem>>)
        } else {
        }
      } else {
      }
      %scan3A_32 = arith.constant 0 : i32
      scf.yield %scan3A_32 : i32
    }
    %scan3A_14 = arith.constant 13 : i32
    return
  }
}

#map = affine_map<(d0, d1) -> (0, 0)>
#map1 = affine_map<(d0, d1) -> (0)>
module attributes {stable_mosaic.version = 14 : i64} {
  func.func @_gather_rows(%arg0: i32, %arg1: i32, %arg2: memref<100000x128xf32, #tpu.memory_space<hbm>>, %arg3: memref<16384xi32, #tpu.memory_space<hbm>>, %arg4: memref<16384x128xf32, #tpu.memory_space<hbm>>, %arg5: memref<512xi32, #tpu.memory_space<vmem>>, %arg6: memref<512x128xf32, #tpu.memory_space<vmem>>, %arg7: memref<!tpu.dma_semaphore, #tpu.memory_space<semaphore_mem>>) attributes {dimension_semantics = [#tpu.dimension_semantics<core_parallel>, #tpu.dimension_semantics<subcore_parallel>], iteration_bounds = array<i64: 2, 16>, scalar_prefetch = 0 : i64, scratch_operands = 3 : i64, tpu.core_type = #tpu.core_type<sc_vector_subcore>, window_params = [{transform_indices = #map}, {transform_indices = #map1}, {transform_indices = #map}]} {
    %mul3A = arith.constant 2 : i32
    %mul3A_0 = arith.muli %arg1, %mul3A : i32
    %add3A = arith.addi %mul3A_0, %arg0 : i32
    %mul3A_1 = arith.constant 512 : i32
    %mul3A_2 = arith.muli %add3A, %mul3A_1 : i32
    "tpu.region"() ({
      %run_scoped3A = tpu.sem_alloc : memref<!tpu.dma_semaphore, #tpu.memory_space<semaphore_mem>>
      %dma_start3A_65 = tpu.memref_slice %arg3[%mul3A_2] : memref<16384xi32, #tpu.memory_space<hbm>> -> memref<512xi32, #tpu.memory_space<hbm>>
      %dma_start3A_66 = tpu.memref_slice %arg3[%mul3A_2] : memref<16384xi32, #tpu.memory_space<hbm>> -> memref<512xi32, #tpu.memory_space<hbm>>
      tpu.enqueue_dma source(%dma_start3A_66 : memref<512xi32, #tpu.memory_space<hbm>>) target(%arg5 : memref<512xi32, #tpu.memory_space<vmem>>) target_semaphore(%run_scoped3A : memref<!tpu.dma_semaphore, #tpu.memory_space<semaphore_mem>>)
      %dma_wait3A_67 = tpu.memref_slice %arg3[%mul3A_2] : memref<16384xi32, #tpu.memory_space<hbm>> -> memref<512xi32, #tpu.memory_space<hbm>>
      %dma_wait3A_68 = tpu.memref_slice %arg3[%mul3A_2] : memref<16384xi32, #tpu.memory_space<hbm>> -> memref<512xi32, #tpu.memory_space<hbm>>
      tpu.wait_dma2 semaphore(%run_scoped3A : memref<!tpu.dma_semaphore, #tpu.memory_space<semaphore_mem>>) src(%dma_wait3A_68 : memref<512xi32, #tpu.memory_space<hbm>>) dst(%arg5 : memref<512xi32, #tpu.memory_space<vmem>>)
      tpu.yield
    }) : () -> ()
    %dma_start3A = arith.constant 0 : i32
    %dma_start3A_3 = arith.constant 0 : i32
    %dma_start3A_4 = tpu.memref_slice %arg6[%dma_start3A, %dma_start3A_3] : memref<512x128xf32, #tpu.memory_space<vmem>> -> memref<128x128xf32, #tpu.memory_space<vmem>>
    %dma_start3A_5 = arith.constant 0 : i32
    %dma_start3A_6 = tpu.memref_slice %arg5[%dma_start3A_5] : memref<512xi32, #tpu.memory_space<vmem>> -> memref<128xi32, #tpu.memory_space<vmem>>
    %dma_start3A_7 = arith.constant 0 : i32
    %dma_start3A_8 = arith.constant 0 : i32
    %dma_start3A_9 = tpu.memref_slice %arg2[%dma_start3A_7, %dma_start3A_8] : memref<100000x128xf32, #tpu.memory_space<hbm>> -> memref<100000x128xf32, #tpu.memory_space<hbm>>
    tpu.enqueue_indirect_dma source(%dma_start3A_9 : memref<100000x128xf32, #tpu.memory_space<hbm>>) target(%dma_start3A_4 : memref<128x128xf32, #tpu.memory_space<vmem>>) offsets(%dma_start3A_6 : memref<128xi32, #tpu.memory_space<vmem>>) semaphore(%arg7 : memref<!tpu.dma_semaphore, #tpu.memory_space<semaphore_mem>>)
    %dma_start3A_10 = arith.constant 128 : i32
    %dma_start3A_11 = arith.constant 0 : i32
    %dma_start3A_12 = tpu.memref_slice %arg6[%dma_start3A_10, %dma_start3A_11] : memref<512x128xf32, #tpu.memory_space<vmem>> -> memref<128x128xf32, #tpu.memory_space<vmem>>
    %dma_start3A_13 = arith.constant 128 : i32
    %dma_start3A_14 = tpu.memref_slice %arg5[%dma_start3A_13] : memref<512xi32, #tpu.memory_space<vmem>> -> memref<128xi32, #tpu.memory_space<vmem>>
    %dma_start3A_15 = arith.constant 0 : i32
    %dma_start3A_16 = arith.constant 0 : i32
    %dma_start3A_17 = tpu.memref_slice %arg2[%dma_start3A_15, %dma_start3A_16] : memref<100000x128xf32, #tpu.memory_space<hbm>> -> memref<100000x128xf32, #tpu.memory_space<hbm>>
    tpu.enqueue_indirect_dma source(%dma_start3A_17 : memref<100000x128xf32, #tpu.memory_space<hbm>>) target(%dma_start3A_12 : memref<128x128xf32, #tpu.memory_space<vmem>>) offsets(%dma_start3A_14 : memref<128xi32, #tpu.memory_space<vmem>>) semaphore(%arg7 : memref<!tpu.dma_semaphore, #tpu.memory_space<semaphore_mem>>)
    %dma_start3A_18 = arith.constant 256 : i32
    %dma_start3A_19 = arith.constant 0 : i32
    %dma_start3A_20 = tpu.memref_slice %arg6[%dma_start3A_18, %dma_start3A_19] : memref<512x128xf32, #tpu.memory_space<vmem>> -> memref<128x128xf32, #tpu.memory_space<vmem>>
    %dma_start3A_21 = arith.constant 256 : i32
    %dma_start3A_22 = tpu.memref_slice %arg5[%dma_start3A_21] : memref<512xi32, #tpu.memory_space<vmem>> -> memref<128xi32, #tpu.memory_space<vmem>>
    %dma_start3A_23 = arith.constant 0 : i32
    %dma_start3A_24 = arith.constant 0 : i32
    %dma_start3A_25 = tpu.memref_slice %arg2[%dma_start3A_23, %dma_start3A_24] : memref<100000x128xf32, #tpu.memory_space<hbm>> -> memref<100000x128xf32, #tpu.memory_space<hbm>>
    tpu.enqueue_indirect_dma source(%dma_start3A_25 : memref<100000x128xf32, #tpu.memory_space<hbm>>) target(%dma_start3A_20 : memref<128x128xf32, #tpu.memory_space<vmem>>) offsets(%dma_start3A_22 : memref<128xi32, #tpu.memory_space<vmem>>) semaphore(%arg7 : memref<!tpu.dma_semaphore, #tpu.memory_space<semaphore_mem>>)
    %dma_start3A_26 = arith.constant 384 : i32
    %dma_start3A_27 = arith.constant 0 : i32
    %dma_start3A_28 = tpu.memref_slice %arg6[%dma_start3A_26, %dma_start3A_27] : memref<512x128xf32, #tpu.memory_space<vmem>> -> memref<128x128xf32, #tpu.memory_space<vmem>>
    %dma_start3A_29 = arith.constant 384 : i32
    %dma_start3A_30 = tpu.memref_slice %arg5[%dma_start3A_29] : memref<512xi32, #tpu.memory_space<vmem>> -> memref<128xi32, #tpu.memory_space<vmem>>
    %dma_start3A_31 = arith.constant 0 : i32
    %dma_start3A_32 = arith.constant 0 : i32
    %dma_start3A_33 = tpu.memref_slice %arg2[%dma_start3A_31, %dma_start3A_32] : memref<100000x128xf32, #tpu.memory_space<hbm>> -> memref<100000x128xf32, #tpu.memory_space<hbm>>
    tpu.enqueue_indirect_dma source(%dma_start3A_33 : memref<100000x128xf32, #tpu.memory_space<hbm>>) target(%dma_start3A_28 : memref<128x128xf32, #tpu.memory_space<vmem>>) offsets(%dma_start3A_30 : memref<128xi32, #tpu.memory_space<vmem>>) semaphore(%arg7 : memref<!tpu.dma_semaphore, #tpu.memory_space<semaphore_mem>>)
    %dma_wait3A = arith.constant 0 : i32
    %dma_wait3A_34 = arith.constant 0 : i32
    %dma_wait3A_35 = tpu.memref_slice %arg6[%dma_wait3A, %dma_wait3A_34] : memref<512x128xf32, #tpu.memory_space<vmem>> -> memref<128x128xf32, #tpu.memory_space<vmem>>
    %dma_wait3A_36 = arith.constant 0 : i32
    %dma_wait3A_37 = tpu.memref_slice %arg5[%dma_wait3A_36] : memref<512xi32, #tpu.memory_space<vmem>> -> memref<128xi32, #tpu.memory_space<vmem>>
    %dma_wait3A_38 = arith.constant 0 : i32
    %dma_wait3A_39 = arith.constant 0 : i32
    %dma_wait3A_40 = tpu.memref_slice %arg2[%dma_wait3A_38, %dma_wait3A_39] : memref<100000x128xf32, #tpu.memory_space<hbm>> -> memref<100000x128xf32, #tpu.memory_space<hbm>>
    tpu.wait_indirect_dma semaphore(%arg7 : memref<!tpu.dma_semaphore, #tpu.memory_space<semaphore_mem>>) src(%dma_wait3A_40 : memref<100000x128xf32, #tpu.memory_space<hbm>>) dst(%dma_wait3A_35 : memref<128x128xf32, #tpu.memory_space<vmem>>)
    %dma_wait3A_41 = arith.constant 128 : i32
    %dma_wait3A_42 = arith.constant 0 : i32
    %dma_wait3A_43 = tpu.memref_slice %arg6[%dma_wait3A_41, %dma_wait3A_42] : memref<512x128xf32, #tpu.memory_space<vmem>> -> memref<128x128xf32, #tpu.memory_space<vmem>>
    %dma_wait3A_44 = arith.constant 128 : i32
    %dma_wait3A_45 = tpu.memref_slice %arg5[%dma_wait3A_44] : memref<512xi32, #tpu.memory_space<vmem>> -> memref<128xi32, #tpu.memory_space<vmem>>
    %dma_wait3A_46 = arith.constant 0 : i32
    %dma_wait3A_47 = arith.constant 0 : i32
    %dma_wait3A_48 = tpu.memref_slice %arg2[%dma_wait3A_46, %dma_wait3A_47] : memref<100000x128xf32, #tpu.memory_space<hbm>> -> memref<100000x128xf32, #tpu.memory_space<hbm>>
    tpu.wait_indirect_dma semaphore(%arg7 : memref<!tpu.dma_semaphore, #tpu.memory_space<semaphore_mem>>) src(%dma_wait3A_48 : memref<100000x128xf32, #tpu.memory_space<hbm>>) dst(%dma_wait3A_43 : memref<128x128xf32, #tpu.memory_space<vmem>>)
    %dma_wait3A_49 = arith.constant 256 : i32
    %dma_wait3A_50 = arith.constant 0 : i32
    %dma_wait3A_51 = tpu.memref_slice %arg6[%dma_wait3A_49, %dma_wait3A_50] : memref<512x128xf32, #tpu.memory_space<vmem>> -> memref<128x128xf32, #tpu.memory_space<vmem>>
    %dma_wait3A_52 = arith.constant 256 : i32
    %dma_wait3A_53 = tpu.memref_slice %arg5[%dma_wait3A_52] : memref<512xi32, #tpu.memory_space<vmem>> -> memref<128xi32, #tpu.memory_space<vmem>>
    %dma_wait3A_54 = arith.constant 0 : i32
    %dma_wait3A_55 = arith.constant 0 : i32
    %dma_wait3A_56 = tpu.memref_slice %arg2[%dma_wait3A_54, %dma_wait3A_55] : memref<100000x128xf32, #tpu.memory_space<hbm>> -> memref<100000x128xf32, #tpu.memory_space<hbm>>
    tpu.wait_indirect_dma semaphore(%arg7 : memref<!tpu.dma_semaphore, #tpu.memory_space<semaphore_mem>>) src(%dma_wait3A_56 : memref<100000x128xf32, #tpu.memory_space<hbm>>) dst(%dma_wait3A_51 : memref<128x128xf32, #tpu.memory_space<vmem>>)
    %dma_wait3A_57 = arith.constant 384 : i32
    %dma_wait3A_58 = arith.constant 0 : i32
    %dma_wait3A_59 = tpu.memref_slice %arg6[%dma_wait3A_57, %dma_wait3A_58] : memref<512x128xf32, #tpu.memory_space<vmem>> -> memref<128x128xf32, #tpu.memory_space<vmem>>
    %dma_wait3A_60 = arith.constant 384 : i32
    %dma_wait3A_61 = tpu.memref_slice %arg5[%dma_wait3A_60] : memref<512xi32, #tpu.memory_space<vmem>> -> memref<128xi32, #tpu.memory_space<vmem>>
    %dma_wait3A_62 = arith.constant 0 : i32
    %dma_wait3A_63 = arith.constant 0 : i32
    %dma_wait3A_64 = tpu.memref_slice %arg2[%dma_wait3A_62, %dma_wait3A_63] : memref<100000x128xf32, #tpu.memory_space<hbm>> -> memref<100000x128xf32, #tpu.memory_space<hbm>>
    tpu.wait_indirect_dma semaphore(%arg7 : memref<!tpu.dma_semaphore, #tpu.memory_space<semaphore_mem>>) src(%dma_wait3A_64 : memref<100000x128xf32, #tpu.memory_space<hbm>>) dst(%dma_wait3A_59 : memref<128x128xf32, #tpu.memory_space<vmem>>)
    "tpu.region"() ({
      %run_scoped3A = tpu.sem_alloc : memref<!tpu.dma_semaphore, #tpu.memory_space<semaphore_mem>>
      %dma_start3A_65 = arith.constant 0 : i32
      %dma_start3A_66 = tpu.memref_slice %arg4[%mul3A_2, %dma_start3A_65] : memref<16384x128xf32, #tpu.memory_space<hbm>> -> memref<512x128xf32, #tpu.memory_space<hbm>>
      %dma_start3A_67 = arith.constant 0 : i32
      %dma_start3A_68 = tpu.memref_slice %arg4[%mul3A_2, %dma_start3A_67] : memref<16384x128xf32, #tpu.memory_space<hbm>> -> memref<512x128xf32, #tpu.memory_space<hbm>>
      tpu.enqueue_dma source(%arg6 : memref<512x128xf32, #tpu.memory_space<vmem>>) target(%dma_start3A_68 : memref<512x128xf32, #tpu.memory_space<hbm>>) target_semaphore(%run_scoped3A : memref<!tpu.dma_semaphore, #tpu.memory_space<semaphore_mem>>)
      %dma_wait3A_69 = arith.constant 0 : i32
      %dma_wait3A_70 = tpu.memref_slice %arg4[%mul3A_2, %dma_wait3A_69] : memref<16384x128xf32, #tpu.memory_space<hbm>> -> memref<512x128xf32, #tpu.memory_space<hbm>>
      %dma_wait3A_71 = arith.constant 0 : i32
      %dma_wait3A_72 = tpu.memref_slice %arg4[%mul3A_2, %dma_wait3A_71] : memref<16384x128xf32, #tpu.memory_space<hbm>> -> memref<512x128xf32, #tpu.memory_space<hbm>>
      tpu.wait_dma2 semaphore(%run_scoped3A : memref<!tpu.dma_semaphore, #tpu.memory_space<semaphore_mem>>) src(%arg6 : memref<512x128xf32, #tpu.memory_space<vmem>>) dst(%dma_wait3A_72 : memref<512x128xf32, #tpu.memory_space<hbm>>)
      tpu.yield
    }) : () -> ()
    return
  }
}

module attributes {stable_mosaic.version = 14 : i64} {
  func.func @_gru_body(%arg0: i32, %arg1: memref<1024x32xf32, #tpu.memory_space<vmem>>, %arg2: memref<1024x128xf32, #tpu.memory_space<vmem>>, %arg3: memref<384x32xf32, #tpu.memory_space<vmem>>, %arg4: memref<384x128xf32, #tpu.memory_space<vmem>>, %arg5: memref<1x384xf32, #tpu.memory_space<vmem>>, %arg6: memref<1x384xf32, #tpu.memory_space<vmem>>, %arg7: memref<6256x128xf32, #tpu.memory_space<vmem>>, %arg8: memref<1024x128xf32, #tpu.memory_space<vmem>>, %arg9: memref<6256x128xf32, #tpu.memory_space<vmem>>) attributes {dimension_semantics = [#tpu.dimension_semantics<arbitrary>], iteration_bounds = array<i64: 16>, scalar_prefetch = 0 : i64, scratch_operands = 0 : i64, tpu.core_type = #tpu.core_type<tc>, window_params = [{transform_indices = @transform_0, window_bounds = array<i64: 1024, 32>}, {transform_indices = @transform_1, window_bounds = array<i64: 1024, 128>}, {pipeline_mode = #tpu.pipeline_mode<synchronous>, transform_indices = @transform_2, window_bounds = array<i64: 384, 32>}, {pipeline_mode = #tpu.pipeline_mode<synchronous>, transform_indices = @transform_3, window_bounds = array<i64: 384, 128>}, {pipeline_mode = #tpu.pipeline_mode<synchronous>, transform_indices = @transform_4, window_bounds = array<i64: 1, 384>}, {pipeline_mode = #tpu.pipeline_mode<synchronous>, transform_indices = @transform_5, window_bounds = array<i64: 1, 384>}, {transform_indices = @transform_6, window_bounds = array<i64: 6256, 128>}, {transform_indices = @transform_7, window_bounds = array<i64: 1024, 128>}, {transform_indices = @transform_8, window_bounds = array<i64: 6256, 128>}]} {
    %get3A = arith.constant 0 : index
    %get3A_0 = arith.constant 0 : index
    %get3A_1 = vector.load %arg1[%get3A, %get3A_0] : memref<1024x32xf32, #tpu.memory_space<vmem>>, vector<1024x32xf32>
    %get3A_2 = arith.constant 0 : index
    %get3A_3 = arith.constant 0 : index
    %get3A_4 = vector.load %arg2[%get3A_2, %get3A_3] : memref<1024x128xf32, #tpu.memory_space<vmem>>, vector<1024x128xf32>
    %get3A_5 = arith.constant 0 : index
    %get3A_6 = arith.constant 0 : index
    %get3A_7 = vector.load %arg3[%get3A_5, %get3A_6] : memref<384x32xf32, #tpu.memory_space<vmem>>, vector<384x32xf32>
    %dot_general3A = arith.constant dense<0.000000e+00> : vector<1024x384xf32>
    %dot_general3A_8 = tpu.matmul %get3A_1, %get3A_7, %dot_general3A {dimension_numbers = #tpu.dot_dimension_numbers<[1], [1], [0], [0], [0, 0, 1, 0], [], []>, transpose_lhs_hint = false} : vector<1024x32xf32>, vector<384x32xf32>, vector<1024x384xf32> -> vector<1024x384xf32>
    %get3A_9 = arith.constant 0 : index
    %get3A_10 = arith.constant 0 : index
    %get3A_11 = vector.load %arg5[%get3A_9, %get3A_10] : memref<1x384xf32, #tpu.memory_space<vmem>>, vector<1x384xf32>
    %add3A = vector.broadcast %get3A_11 : vector<1x384xf32> to vector<1024x384xf32>
    %add3A_12 = arith.addf %dot_general3A_8, %add3A : vector<1024x384xf32>
    %get3A_13 = arith.constant 0 : index
    %get3A_14 = arith.constant 0 : index
    %get3A_15 = vector.load %arg4[%get3A_13, %get3A_14] : memref<384x128xf32, #tpu.memory_space<vmem>>, vector<384x128xf32>
    %dot_general3A_16 = arith.constant dense<0.000000e+00> : vector<1024x384xf32>
    %dot_general3A_17 = tpu.matmul %get3A_4, %get3A_15, %dot_general3A_16 {dimension_numbers = #tpu.dot_dimension_numbers<[1], [1], [0], [0], [0, 0, 1, 0], [], []>, transpose_lhs_hint = false} : vector<1024x128xf32>, vector<384x128xf32>, vector<1024x384xf32> -> vector<1024x384xf32>
    %get3A_18 = arith.constant 0 : index
    %get3A_19 = arith.constant 0 : index
    %get3A_20 = vector.load %arg6[%get3A_18, %get3A_19] : memref<1x384xf32, #tpu.memory_space<vmem>>, vector<1x384xf32>
    %add3A_21 = vector.broadcast %get3A_20 : vector<1x384xf32> to vector<1024x384xf32>
    %add3A_22 = arith.addf %dot_general3A_17, %add3A_21 : vector<1024x384xf32>
    %slice3A = vector.extract_strided_slice %add3A_12 {offsets = [0, 0], sizes = [1024, 128], strides = [1, 1]} : vector<1024x384xf32> to vector<1024x128xf32>
    %slice3A_23 = vector.extract_strided_slice %add3A_22 {offsets = [0, 0], sizes = [1024, 128], strides = [1, 1]} : vector<1024x384xf32> to vector<1024x128xf32>
    %add3A_24 = arith.addf %slice3A, %slice3A_23 : vector<1024x128xf32>
    %logistic3A = arith.negf %add3A_24 : vector<1024x128xf32>
    %logistic3A_25 = math.exp %logistic3A : vector<1024x128xf32>
    %logistic3A_26 = arith.constant 1.000000e+00 : f32
    %logistic3A_27 = vector.broadcast %logistic3A_26 : f32 to vector<1024x128xf32>
    %logistic3A_28 = arith.addf %logistic3A_27, %logistic3A_25 : vector<1024x128xf32>
    %logistic3A_29 = arith.divf %logistic3A_27, %logistic3A_28 : vector<1024x128xf32>
    %slice3A_30 = vector.extract_strided_slice %add3A_12 {offsets = [0, 128], sizes = [1024, 128], strides = [1, 1]} : vector<1024x384xf32> to vector<1024x128xf32>
    %slice3A_31 = vector.extract_strided_slice %add3A_22 {offsets = [0, 128], sizes = [1024, 128], strides = [1, 1]} : vector<1024x384xf32> to vector<1024x128xf32>
    %add3A_32 = arith.addf %slice3A_30, %slice3A_31 : vector<1024x128xf32>
    %logistic3A_33 = arith.negf %add3A_32 : vector<1024x128xf32>
    %logistic3A_34 = math.exp %logistic3A_33 : vector<1024x128xf32>
    %logistic3A_35 = arith.constant 1.000000e+00 : f32
    %logistic3A_36 = vector.broadcast %logistic3A_35 : f32 to vector<1024x128xf32>
    %logistic3A_37 = arith.addf %logistic3A_36, %logistic3A_34 : vector<1024x128xf32>
    %logistic3A_38 = arith.divf %logistic3A_36, %logistic3A_37 : vector<1024x128xf32>
    %slice3A_39 = vector.extract_strided_slice %add3A_12 {offsets = [0, 256], sizes = [1024, 128], strides = [1, 1]} : vector<1024x384xf32> to vector<1024x128xf32>
    %slice3A_40 = vector.extract_strided_slice %add3A_22 {offsets = [0, 256], sizes = [1024, 128], strides = [1, 1]} : vector<1024x384xf32> to vector<1024x128xf32>
    %mul3A = arith.mulf %logistic3A_29, %slice3A_40 : vector<1024x128xf32>
    %add3A_41 = arith.addf %slice3A_39, %mul3A : vector<1024x128xf32>
    %tanh3A = math.tanh %add3A_41 : vector<1024x128xf32>
    %sub3A = arith.constant 1.000000e+00 : f32
    %sub3A_42 = vector.broadcast %sub3A : f32 to vector<1024x128xf32>
    %sub3A_43 = arith.subf %sub3A_42, %logistic3A_38 : vector<1024x128xf32>
    %mul3A_44 = arith.mulf %sub3A_43, %tanh3A : vector<1024x128xf32>
    %mul3A_45 = arith.mulf %logistic3A_38, %get3A_4 : vector<1024x128xf32>
    %add3A_46 = arith.addf %mul3A_44, %mul3A_45 : vector<1024x128xf32>
    %swap3A = arith.constant 0 : index
    %swap3A_47 = arith.constant 0 : index
    %swap3A_48 = vector.load %arg8[%swap3A, %swap3A_47] : memref<1024x128xf32, #tpu.memory_space<vmem>>, vector<1024x128xf32>
    tpu.vector_store %arg8[%swap3A, %swap3A_47], %add3A_46 {strides = array<i32>} : memref<1024x128xf32, #tpu.memory_space<vmem>>, vector<1024x128xf32>,
    %get3A_49 = arith.constant 0 : index
    %get3A_50 = arith.constant 0 : index
    %get3A_51 = vector.load %arg7[%get3A_49, %get3A_50] : memref<6256x128xf32, #tpu.memory_space<vmem>>, vector<6256x128xf32>
    %swap3A_52 = arith.constant 0 : index
    %swap3A_53 = arith.constant 0 : index
    %swap3A_54 = vector.load %arg9[%swap3A_52, %swap3A_53] : memref<6256x128xf32, #tpu.memory_space<vmem>>, vector<6256x128xf32>
    tpu.vector_store %arg9[%swap3A_52, %swap3A_53], %get3A_51 {strides = array<i32>} : memref<6256x128xf32, #tpu.memory_space<vmem>>, vector<6256x128xf32>,
    return
  }
  func.func @transform_0(%arg0: i32) -> (i32, i32) {
    %c0_i32 = arith.constant 0 : i32
    %c0_i32_0 = arith.constant 0 : i32
    return %arg0, %c0_i32 : i32, i32
  }
  func.func @transform_1(%arg0: i32) -> (i32, i32) {
    %c0_i32 = arith.constant 0 : i32
    %c0_i32_0 = arith.constant 0 : i32
    return %arg0, %c0_i32 : i32, i32
  }
  func.func @transform_2(%arg0: i32) -> (i32, i32) {
    %c0_i32 = arith.constant 0 : i32
    %c0_i32_0 = arith.constant 0 : i32
    %c0_i32_1 = arith.constant 0 : i32
    return %c0_i32, %c0_i32_0 : i32, i32
  }
  func.func @transform_3(%arg0: i32) -> (i32, i32) {
    %c0_i32 = arith.constant 0 : i32
    %c0_i32_0 = arith.constant 0 : i32
    %c0_i32_1 = arith.constant 0 : i32
    return %c0_i32, %c0_i32_0 : i32, i32
  }
  func.func @transform_4(%arg0: i32) -> (i32, i32) {
    %c0_i32 = arith.constant 0 : i32
    %c0_i32_0 = arith.constant 0 : i32
    %c0_i32_1 = arith.constant 0 : i32
    return %c0_i32, %c0_i32_0 : i32, i32
  }
  func.func @transform_5(%arg0: i32) -> (i32, i32) {
    %c0_i32 = arith.constant 0 : i32
    %c0_i32_0 = arith.constant 0 : i32
    %c0_i32_1 = arith.constant 0 : i32
    return %c0_i32, %c0_i32_0 : i32, i32
  }
  func.func @transform_6(%arg0: i32) -> (i32, i32) {
    %c0_i32 = arith.constant 0 : i32
    %c0_i32_0 = arith.constant 0 : i32
    return %arg0, %c0_i32 : i32, i32
  }
  func.func @transform_7(%arg0: i32) -> (i32, i32) {
    %c0_i32 = arith.constant 0 : i32
    %c0_i32_0 = arith.constant 0 : i32
    return %arg0, %c0_i32 : i32, i32
  }
  func.func @transform_8(%arg0: i32) -> (i32, i32) {
    %c0_i32 = arith.constant 0 : i32
    %c0_i32_0 = arith.constant 0 : i32
    return %arg0, %c0_i32 : i32, i32
  }
}

</mosaic_0001>

<sc_bundles>
// kernel: kernel.12.cloned.1.call-start
scs
__scs_entry_jumppad:
0x0: {  	(pc) =	sbr.rel $0x88, $3  }
0x1: {  	(tag) =	ssettag $0x0;
	lr =	simm.s32 $0x1  }
0x2: {  	[smem:$0x3F9A] =	sst lr;
	_ =	strace $0xD0000000  }
0x3: {  	_ = 	snop  }
0x4: {  	_ = 	snop  }
0x5: {  	_ = 	snop  }
0x6: {  	_ = 	snop  }
0x7: {  	_ = 	snop  }
__scs_overlays_trampoline_lowered:
0x8: {  	[smem:$0x3FA9] =	sst s0  }
0x9: {  	[smem:$0x3FAA] =	sst s1  }
0xa: {  	[smem:$0x3FAB] =	sst s2  }
0xb: {  	[smem:$0x3FAC] =	sst s3  }
0xc: {  	[smem:$0x3FAD] =	sst s4  }
0xd: {  	[smem:$0x3FAE] =	sst s5  }
0xe: {  	[smem:$0x3FAF] =	sst s6  }
0xf: {  	[smem:$0x3FB0] =	sst s7  }
0x10: {  	[smem:$0x3FB1] =	sst s8  }
0x11: {  	[smem:$0x3FB2] =	sst s9;
	s0 =	simm.s32 @!p0 $0x0  }
0x12: {  	s1 =	sld [smem:$0x3F98];
	s0 =	simm.s32 @p0 $0x1  }
0x13: {  	[smem:$0x3FB3] =	sst s0;
	s0 =	simm.s32 @!p1 $0x0  }
0x14: {  	s2 =	sld [smem:$0x3F97];
	s0 =	simm.s32 @p1 $0x1  }
0x15: {  	[smem:$0x3FB4] =	sst s0;
	s0 =	simm.s32 @!p2 $0x0  }
0x16: {  	s3 =	sld [smem:$0x3FDB];
	s0 =	simm.s32 @p2 $0x1  }
0x17: {  	s4 =	simm.s32 $0x1BF5;
	[smem:$0x3FB6] =	sst s0  }
0x18: {  	s0 =	sld [smem:$0x3F99];
	_ =	swait.ge [sflag:s4], $0x0  }
0x19: {  	s7 =	sld [smem:$0x3F9A]  }
0x1a: {  	s8 =	sadd.s32 $0xFFFFE003, lr  }
0x1b: {  	s9 =	sadd.s32 $0xFFFFFEF7, lr;
	s5 =	simm.s32 $0xFFFFFFFF;
	p2 =	slt.u32 s8, $0xFFFFF086  }
0x1c: {  	p1 =	slt.u32 s9, $0xF7A;
	s5 =	simm.s32 @!p2 $0x0  }
0x1d: {  	s5 =	simm.s32 @p1 $0x1;
	p0 =	seq.s32 s7, s2  }
0x1e: {  	s7 =	smul.u32 @!p0 $0xF7A, s2;
	p2 =	seq.s32 @!p0 s5, $0x0  }
0x1f: {  	s9 =	smul.u32 $0xF7A, s1;
	s8 =	simm.s32 @!p0 $0x1BF5;
	p2 =	por !p2, p0  }
0x20: {  	[sflag:s8] =	ssyncset.s32 @!p0 $0xFFFFF086;
	s6 =	sadd.s32 @!p0 s3, s7;
	s7 =	simm.s32 @!p0 $0x108  }
0x21: {  	s3 =	sadd.s32 s3, s9;
	s6 =	sadd.s32 @!p0 $0x88, s6;
	s7 =	simm.s32 @p2 $0x1082  }
0x22: {  	[simem:s7], [sflag:s8] =	dma.local @!p0 [hbm:s6], $0xF7A  }
0x23: {  	s9 =	sor.u32 $0xD0000000, s2;
	s6 =	simm.s32 $0x108;
	_ =	swait.ge @!p0 [sflag:s8], $0x0  }
0x24: {  	s3 =	sadd.s32 $0x88, s3;
	s6 =	simm.s32 @!p1 $0x1082;
	[sflag:s4] =	ssyncset.s32 $0xFFFFF086  }
0x25: {  	[simem:s6], [sflag:s4] =	dma.local [hbm:s3], $0xF7A  }
0x26: {  	[smem:$0x3F9A] =	sst s1;
	(tag) =	ssettag s2;
	_ =	strace s9  }
0x27: {  	s1 =	sld [smem:$0x3FAA]  }
0x28: {  	s2 =	sld [smem:$0x3FAB]  }
0x29: {  	s4 =	sld [smem:$0x3FAD]  }
0x2a: {  	p0 =	seq.s32 s5, $0x0;
	s5 =	sld [smem:$0x3FAE]  }
0x2b: {  	s6 =	sld [smem:$0x3FAF]  }
0x2c: {  	s7 =	sld [smem:$0x3FB0]  }
0x2d: {  	s3 =	simm.s32 $0x108;
	s8 =	sld [smem:$0x3FB1]  }
0x2e: {  	s3 =	simm.s32 @!p0 $0x1082;
	s9 =	sld [smem:$0x3FB2]  }
0x2f: {  	lr =	sadd.s32 s0, s3;
	s0 =	sld [smem:$0x3FA9]  }
0x30: {  	s3 =	sld [smem:$0x3FAC]  }
0x31: {  	[smem:$0x3FB5] =	sst s10  }
0x32: {  	s10 =	sld [smem:$0x3FB3];
	_ =	sdelay $0x3  }
0x33: {  	p0 =	seq.s32 s10, $0x1;
	s10 =	sld [smem:$0x3FB5];
	_ =	sdelay $0x3  }
0x34: {  	[smem:$0x3FB5] =	sst s10  }
0x35: {  	s10 =	sld [smem:$0x3FB4];
	_ =	sdelay $0x3  }
0x36: {  	p1 =	seq.s32 s10, $0x1;
	s10 =	sld [smem:$0x3FB5];
	_ =	sdelay $0x3  }
0x37: {  	[smem:$0x3FB5] =	sst s10  }
0x38: {  	s10 =	sld [smem:$0x3FB6]  }
0x39: {  	_ = 	snop;
	(pc) =	sbr.ind lr, $3  }
0x3a: {  	_ = 	snop  }
0x3b: {  	_ = 	snop  }
0x3c: {  	p2 =	seq.s32 s10, $0x1;
	s10 =	sld [smem:$0x3FB5]  }
0x3d: {  	_ =	shalt  }
0x3e: {  	_ =	shalt  }
0x3f: {  	_ =	shalt  }
0x40: {  	_ =	shalt  }
0x41: {  	_ =	shalt  }
0x42: {  	_ =	shalt  }
0x43: {  	_ =	shalt  }
0x44: {  	_ =	shalt  }
0x45: {  	_ =	shalt  }
0x46: {  	_ =	shalt  }
0x47: {  	_ =	shalt  }
0x48: {  	_ =	shalt  }
0x49: {  	_ =	shalt  }
0x4a: {  	_ =	shalt  }
0x4b: {  	_ =	shalt  }
0x4c: {  	_ =	shalt  }
0x4d: {  	_ =	shalt  }
0x4e: {  	_ =	shalt  }
0x4f: {  	_ =	shalt  }
0x50: {  	_ =	shalt  }
0x51: {  	_ =	shalt  }
0x52: {  	_ =	shalt  }
0x53: {  	_ =	shalt  }
0x54: {  	_ =	shalt  }
0x55: {  	_ =	shalt  }
0x56: {  	_ =	shalt  }
0x57: {  	_ =	shalt  }
0x58: {  	_ =	shalt  }
0x59: {  	_ =	shalt  }
0x5a: {  	_ =	shalt  }
0x5b: {  	_ =	shalt  }
0x5c: {  	_ =	shalt  }
0x5d: {  	_ =	shalt  }
0x5e: {  	_ =	shalt  }
0x5f: {  	_ =	shalt  }
0x60: {  	_ =	shalt  }
0x61: {  	_ =	shalt  }
0x62: {  	_ =	shalt  }
0x63: {  	_ =	shalt  }
0x64: {  	_ =	shalt  }
0x65: {  	_ =	shalt  }
0x66: {  	_ =	shalt  }
0x67: {  	_ =	shalt  }
0x68: {  	_ =	shalt  }
0x69: {  	_ =	shalt  }
0x6a: {  	_ =	shalt  }
0x6b: {  	_ =	shalt  }
0x6c: {  	_ =	shalt  }
0x6d: {  	_ =	shalt  }
0x6e: {  	_ =	shalt  }
0x6f: {  	_ =	shalt  }
0x70: {  	_ =	shalt  }
0x71: {  	_ =	shalt  }
0x72: {  	_ =	shalt  }
0x73: {  	_ =	shalt  }
0x74: {  	_ =	shalt  }
0x75: {  	_ =	shalt  }
0x76: {  	_ =	shalt  }
0x77: {  	_ =	shalt  }
0x78: {  	_ =	shalt  }
0x79: {  	_ =	shalt  }
0x7a: {  	_ =	shalt  }
0x7b: {  	_ =	shalt  }
0x7c: {  	_ =	shalt  }
0x7d: {  	_ =	shalt  }
0x7e: {  	_ =	shalt  }
0x7f: {  	_ =	shalt  }
0x80: {  	_ =	shalt  }
0x81: {  	_ =	shalt  }
0x82: {  	_ =	shalt  }
0x83: {  	_ =	shalt  }
0x84: {  	_ =	shalt  }
0x85: {  	_ =	shalt  }
0x86: {  	_ =	shalt  }
0x87: {  	_ =	shalt  }
.Lfunc_end0:
.L_simem_size_0:
called_computation.2_lowered:
.L_overlay_start_0:
0x88: {  	s2 =	sld [smem:$0x3FD9]  }
0x89: {  	s3 =	sld [smem:$0x3FFE];
	_ =	sdelay $0x1  }
0x8a: {  	s1 =	srdreg.scid  }
0x8b: {  	s0 =	sand.u32 $0x1, s1  }
0x8c: {  	s17 =	sshll.u32 s0, $0xA;
	s2 =	sadd.s32 s3, s2  }
0x8d: {  	s2 =	sadd.s32 s2, s17  }
0x8e: {  	[smem:$0x3FC1] =	sst s2  }
0x8f: {  	_ = 	snop  }
0x90: {  	s2 =	sld [smem:$0x3FD0];
	(tm) =	ssettm $0x1  }
0x91: {  	s18 =	sld [smem:$0x3FFB];
	_ =	sdelay $0x3  }
0x92: {  	_ =	strace s18  }
0x93: {  	s3 =	sld [smem:$0x3FFC];
	_ =	sdelay $0x3  }
0x94: {  	_ =	strace s3  }
0x95: {  	s3 =	sld [smem:$0x3FFD];
	_ =	sdelay $0x3  }
0x96: {  	_ =	strace s3  }
0x97: {  	_ =	strace $0x8FFFFFFF  }
0x98: {  	s19 =	sld [smem:$0x3FDB];
	_ =	sdelay $0x1  }
0x99: {  	s4 =	simm.s32 $_scs_section_size  }
0x9a: {  	s5 =	simm.s32 $_size__tile_overlayer_lowered;
	s6 =	simm.s32 $_tile_overlayer_lowered  }
0x9b: {  	s22 =	simm.s32 $0x1BFF;
	s21 =	sshll.u32 s6, $0x1;
	s3 =	sadd.s32 s4, s19  }
0x9c: {  	s7 =	simm.s32 $0x0;
	s20 =	sshll.u32 s5, $0x1;
	s5 =	sadd.s32 s21, s3  }
0x9d: {  	[timem:s7], [sflag:s22] =	dma.local [hbm:s5], s20  }
0x9e: {  	_ =	swait.ge [sflag:s22], s20  }
0x9f: {  	s4 =	ssub.s32 $0x0, s20;
	[sflag:s22] =	ssyncset.done $0x0  }
0xa0: {  	[sflag:s22] =	ssyncadd.s32 s4;
	_ =	sdelay $0x1  }
0xa1: {  	s23 =	simm.s32 $0x1B8B  }
0xa2: {  	_ =	swait.ge [sflag:s23], $0x1  }
0xa3: {  	[sflag:s23] =	ssyncset.done $0x0  }
0xa4: {  	s25 =	simm.s32 $0x1B8E;
	s24 =	sld [smem:$0x3FFE];
	[sflag:s23] =	ssyncadd.s32 $0xFFFFFFFF  }
0xa5: {  	s26 =	simm.s32 $execute0_lowered;
	[smem:$0x3FD2] =	sst s25  }
0xa6: {  	s5 =	sshll.u32 s26, $0x1;
	_ =	strace $0x8000004C;
	[dreg:$0x1] =	wrdreg $0xFFFFFFFF  }
0xa7: {  	s28 =	simm.s32 $_size_execute0_lowered;
	s3 =	sadd.s32 s3, s5;
	[dreg:$0x0] =	wrdreg $0x0  }
0xa8: {  	s5 =	sshll.u32 s28, $0x1;
	[dreg:$0x2] =	wrdreg s3  }
0xa9: {  	[dreg:$0x3] =	wrdreg s5  }
0xaa: {  	[dreg:$0x4] =	wrdreg $0xC0  }
0xab: {  	_ =	task [dreg:s7], $0x5FFFF  }
0xac: {  	[dreg:$0x1] =	wrdreg $0xFFFFFFFF  }
0xad: {  	[dreg:$0x0] =	wrdreg $0x60  }
0xae: {  	[dreg:$0x2] =	wrdreg s24  }
0xaf: {  	[dreg:$0x3] =	wrdreg s2  }
0xb0: {  	[dreg:$0x4] =	wrdreg $0x9  }
0xb1: {  	_ =	task.clear_ibuf [dreg:s7], $0x5FFFF;
	_ =	strace $0x9000004C  }
0xb2: {  	s29 =	simm.s32 $0x9;
	_ =	strace $0x8000004E  }
0xb3: {  	_ =	swait.ge [sflag:s29], $0x1  }
0xb4: {  	[sflag:s29] =	ssyncadd.s32 $0xFFFFFFFF  }
0xb5: {  	_ =	strace $0x9000004E  }
0xb6: {  	_ =	sfence  }
0xb7: {  	s30 =	sld [smem:$0x0];
	_ =	sdelay $0x2  }
0xb8: {  	s31 =	sshll.u32 s1, $0xD;
	s1 =	sshrl.u32 s1, $0x2  }
0xb9: {  	s3 =	sand.u32 $0x4000, s31;
	s1 =	sadd.s32 s1, s30  }
0xba: {  	s0 =	sor.u32 s3, s0;
	s1 =	sshll.u32 s1, $0x11  }
0xbb: {  	s0 =	sor.u32 s1, s0  }
0xbc: {  	s0 =	sadd.s32 $0x8F2B, s0  }
0xbd: {  	[sflag:s0] =	ssyncadd.remote.s32 $0x1  }
0xbe: {  	_ =	sfence.sel $0xFFFF  }
0xbf: {  	[dreg:$0x0] =	wrdreg $0xFFFFFFFF;
	(pc) =	sbr.abs _section_cstart, $3  }
0xc0: {  	[dreg:$0x1] =	wrdreg $0xFFFFFFFF  }
0xc1: {  	_ =	task.clear_ibuf [dreg:s7], $0x2FFFF;
	_ =	strace $0x9FFFFFFF  }
0xc2: {  	(tm) =	ssettm $0x7FFFFFFF  }
0xc3: {  	_ =	shalt  }
tec
execute0_lowered:
.L_overlay_start_1:
0x0: {  	(tag) =	ssettag $0x1  }
0x1: {  	s4 =	rddreg [dreg:$0x0]  }
0x2: {  	s2 =	rddreg [dreg:$0x1]  }
0x3: {  	s0 =	rddreg [dreg:$0x2]  }
0x4: {  	s5 =	srdreg.scid;
	s1 =	stileid.u32;
	s3 =	simm.s32 $0x0  }
0x5: {  	s9 =	simm.s32 $0x2000;
	s10 =	simm.s32 $0x5;
	s11 =	simm.s32 $0x1000  }
0x6: {  	s5 =	sand.u32 $0x1, s5;
	s6 =	sshll.u32 s1, $0x1;
	[smem:$0x7FF] =	sst s3  }
0x7: {  	s12 =	simm.s32 $0x0;
	s6 =	sor.u32 s5, s6;
	_ =	strace $0x8000004D  }
0x8: {  	s5 =	ssub.s32 $0x2, s5;
	s7 =	sshll.u32 s6, $0x9;
	s6 =	sshll.u32 s6, $0x4  }
0x9: {  	s8 =	sshrl.u32 s5, $0x1;
	s7 =	sadd.s32 s7, s4;
	s6 =	sadd.s32 s6, s4  }
0xa: {  	s4 =	sadd.s32 $0x1E00, s4;
	s8 =	ssub.s32 s5, s8;
	s5 =	sadd.s32 $0x49E00, s6  }
0xb: {  	s6 =	sadd.s32 $0x41E00, s7;
	s7 =	sadd.s32 $0x45E00, s7;
	s8 =	smax.u32 s8, $0x1  }
.LBB2_1:
0xc: {  	[tilespmem:s9], [sflag:$0x5] =	stream.linear.gather [hbm4b:s5+s3], $0x80, $0x38;
	[tilespmem:$0xA080] =	vst v63  }
0xd: {  	_ =	swait.ge [sflag:s10], $0x80  }
0xe: {  	[sflag:s10] =	ssyncset.done $0x0  }
0xf: {  	[sflag:s10] =	ssyncadd.s32 $0xFFFFFF80  }
0x10: {  	[tilespmem:s3], [sflag:$0x5] =	stream.linear.gather [hbm4b:s6+s3], $0xD00, $0x38;
	[tilespmem:$0xA080] =	vst v63  }
0x11: {  	_ =	swait.ge [sflag:s10], $0xD00  }
0x12: {  	[sflag:s10] =	ssyncset.done $0x0  }
0x13: {  	[sflag:s10] =	ssyncadd.s32 $0xFFFFF300  }
0x14: {  	[tilespmem:s11], [sflag:$0x5] =	stream.linear.gather [hbm4b:s7+s3], $0xD00, $0x38;
	[tilespmem:$0xA080] =	vst v63  }
0x15: {  	_ =	swait.ge [sflag:s10], $0xD00  }
0x16: {  	[sflag:s10] =	ssyncset.done $0x0  }
0x17: {  	[sflag:s10] =	ssyncadd.s32 $0xFFFFF300  }
0x18: {  	v0 =	vld [tilespmem:$0x2000];
	_ =	sdelay $0x4  }
0x19: {  	(v2sf) =	vpush v0, $0x0;
	_ =	sdelay $0xe  }
0x1a: {  	s13 =	spop (v2sf)  }
0x1b: {  	p0 =	slt.s32 s13, $0x1  }
0x1c: {  	s14 =	simm.s32 @!p0 $0x80  }
0x1d: {  	s15 =	simm.s32 @!p0 $0x1000;
	s16 =	simm.s32 @!p0 $0x2080;
	p1 =	seq.s32 @!p0 s13, $0x1  }
0x1e: {  	[tilespmem:s16], [sflag:$0x1] =	stream.indirect.gather @!p0 [hbm4b:s4+s14], $0x80, s15, s14, $0xb8;
	[tilespmem:$0xA080] =	vst v63  }
0x1f: {  	p0 =	por p1, p0  }
0x20: {  	s14 =	simm.s32 @!p0 $0x80;
	s15 =	simm.s32 @!p0 $0x1080;
	s16 =	simm.s32 @!p0 $0x6080  }
0x21: {  	[tilespmem:s16], [sflag:$0x2] =	stream.indirect.gather @!p0 [hbm4b:s4+s14], $0x80, s15, s14, $0xb8;
	[tilespmem:$0xA080] =	vst v63  }
0x22: {  	p0 =	sle.s32 s13, $0x0  }
0x23: {  	s14 =	simm.s32 @!p0 $0x1  }
0x24: {  	_ =	swait.ge @!p0 [sflag:s14], $0x4000  }
0x25: {  	p1 =	sle.u32 @!p0 s13, $0x2;
	s15 =	simm.s32 @!p0 $0x3;
	[sflag:s14] =	ssyncset.done @!p0 $0x0  }
0x26: {  	s16 =	simm.s32 @!p0 $0x2080;
	[sflag:s14] =	ssyncadd.s32 @!p0 $0xFFFFC000;
	s14 =	simm.s32 @!p0 $0x80  }
0x27: {  	[hbm4b:s2+s14] =	stream.indirect.scatter @!p0 [tilespmem:s16], [sflag:$0x3], $0x80, s3, s14, $0xb8;
	[tilespmem:$0xA080] =	vst v63  }
0x28: {  	p1 =	por p1, p0;
	_ =	swait.ge @!p0 [sflag:s15], $0x4000  }
0x29: {  	s14 =	simm.s32 $0x1100;
	s16 =	simm.s32 @!p1 $0x2080;
	[sflag:s15] =	ssyncset.done @!p0 $0x0  }
0x2a: {  	[sflag:s15] =	ssyncadd.s32 @!p0 $0xFFFFC000;
	s15 =	simm.s32 @!p1 $0x80;
	p0 =	sle.s32 s13, $0x1  }
0x2b: {  	[tilespmem:s16], [sflag:$0x1] =	stream.indirect.gather @!p1 [hbm4b:s4+s15], $0x80, s14, s15, $0xb8;
	[tilespmem:$0xA080] =	vst v63  }
0x2c: {  	s14 =	simm.s32 $0x2;
	s16 =	simm.s32 @!p0 $0x2  }
0x2d: {  	s15 =	simm.s32 $0x1200;
	s18 =	simm.s32 @!p0 $0x80;
	_ =	swait.ge @!p0 [sflag:s16], $0x4000  }
0x2e: {  	s19 =	simm.s32 @!p0 $0x6080;
	s20 =	simm.s32 @!p0 $0x80;
	[sflag:s16] =	ssyncset.done @!p0 $0x0  }
0x2f: {  	s17 =	simm.s32 @!p0 $0x4;
	p1 =	sle.s32 @!p0 s13, $0x3;
	[sflag:s16] =	ssyncadd.s32 @!p0 $0xFFFFC000  }
0x30: {  	[hbm4b:s2+s18] =	stream.indirect.scatter @!p0 [tilespmem:s19], [sflag:$0x4], $0x80, s20, s18, $0xb8;
	[tilespmem:$0xA080] =	vst v63  }
0x31: {  	p3 =	por p1, p0;
	s16 =	simm.s32 $0x100;
	_ =	swait.ge @!p0 [sflag:s17], $0x4000  }
0x32: {  	s18 =	simm.s32 @!p3 $0x1180;
	s19 =	simm.s32 @!p3 $0x6080;
	[sflag:s17] =	ssyncset.done @!p0 $0x0  }
.LBB2_2:
0x33: {  	p2 =	sge.s32 s14, s13;
	[sflag:s17] =	ssyncadd.s32 @!p0 $0xFFFFC000  }
0x34: {  	s17 =	simm.s32 @!p3 $0x80;
	s20 =	smov.u32 s14;
	s21 =	smov.u32 s15  }
0x35: {  	[tilespmem:s19], [sflag:$0x2] =	stream.indirect.gather @!p3 [hbm4b:s4+s17], $0x80, s18, s17, $0xb8;
	[tilespmem:$0xA080] =	vst v63  }
0x36: {  	s14 =	sadd.s32 $0x2, s14;
	s17 =	simm.s32 @!p2 $0x1;
	s18 =	sadd.s32 @!p2 $0x2, s20  }
0x37: {  	p1 =	sne.s32 s14, $0x1A;
	p0 =	sge.u32 @!p2 s18, s13;
	_ =	swait.ge @!p2 [sflag:s17], $0x4000  }
0x38: {  	s18 =	simm.s32 @!p2 $0x3;
	p3 =	por p0, p2;
	[sflag:s17] =	ssyncset.done @!p2 $0x0  }
0x39: {  	s19 =	simm.s32 @!p2 $0x2080;
	[sflag:s17] =	ssyncadd.s32 @!p2 $0xFFFFC000;
	s17 =	simm.s32 @!p2 $0x80  }
0x3a: {  	[hbm4b:s2+s17] =	stream.indirect.scatter @!p2 [tilespmem:s19], [sflag:$0x3], $0x80, s16, s17, $0xb8;
	[tilespmem:$0xA080] =	vst v63  }
0x3b: {  	_ =	swait.ge @!p2 [sflag:s18], $0x4000  }
0x3c: {  	s17 =	simm.s32 @!p3 $0x2080;
	s19 =	sadd.s32 $0x1, s20;
	[sflag:s18] =	ssyncset.done @!p2 $0x0  }
0x3d: {  	p0 =	sge.s32 s19, s13;
	[sflag:s18] =	ssyncadd.s32 @!p2 $0xFFFFC000;
	s18 =	simm.s32 @!p3 $0x80  }
0x3e: {  	[tilespmem:s17], [sflag:$0x1] =	stream.indirect.gather @!p3 [hbm4b:s4+s18], $0x80, s15, s18, $0xb8;
	[tilespmem:$0xA080] =	vst v63  }
0x3f: {  	s17 =	simm.s32 @!p0 $0x2;
	s18 =	sadd.s32 @!p0 $0x3, s20;
	s15 =	sadd.s32 $0x100, s15  }
0x40: {  	s19 =	simm.s32 @!p0 $0x80;
	s20 =	simm.s32 @!p0 $0x6080;
	_ =	swait.ge @!p0 [sflag:s17], $0x4000  }
.Ltmp0:
0x41: {  	s22 =	sadd.s32 @!p0 $0x80, s16;
	[sflag:s17] =	ssyncset.done @!p0 $0x0;
	(pc) =	sbr.rel @p1 .LBB2_2-.Ltmp0, $4  }
0x42: {  	p2 =	sge.s32 @!p0 s18, s13;
	[sflag:s17] =	ssyncadd.s32 @!p0 $0xFFFFC000;
	s17 =	simm.s32 @!p0 $0x4  }
0x43: {  	[hbm4b:s2+s19] =	stream.indirect.scatter @!p0 [tilespmem:s20], [sflag:$0x4], $0x80, s22, s19, $0xb8;
	[tilespmem:$0xA080] =	vst v63  }
0x44: {  	s16 =	sadd.s32 $0x100, s16;
	p3 =	por p2, p0;
	_ =	swait.ge @!p0 [sflag:s17], $0x4000  }
0x45: {  	s18 =	sadd.s32 @!p3 $0x80, s21;
	s19 =	simm.s32 @!p3 $0x6080;
	[sflag:s17] =	ssyncset.done @!p0 $0x0  }
0x46: {  	s12 =	sadd.s32 $0x1, s12  }
0x47: {  	[sflag:s17] =	ssyncadd.s32 @!p0 $0xFFFFC000;
	p0 =	sne.s32 s12, s8  }
.Ltmp1:
0x48: {  	_ = 	snop;
	(pc) =	sbr.rel @p0 .LBB2_1-.Ltmp1, $3  }
0x49: {  	_ =	sdelay $0x1  }
0x4a: {  	s13 =	simm.s32 @!p3 $0x80  }
0x4b: {  	[tilespmem:s19], [sflag:$0x2] =	stream.indirect.gather @!p3 [hbm4b:s4+s13], $0x80, s18, s13, $0xb8;
	[tilespmem:$0xA080] =	vst v63  }
0x4c: {  	_ =	sfence.sel $0x180000  }
0x4d: {  	[bflag:$0x0] =	sbarrier.arrive $0xFFFF  }
0x4e: {  	p0 =	sne.s32 s1, $0x0;
	_ =	strace $0x9000004D  }
0x4f: {  	s0 =	sadd.s32 @!p0 $0x100000, s0;
	[bflag:$0x2] =	sbarrier.arrive $0xFFFF  }
0x50: {  	[sflag:s0] =	ssyncadd.tile.s32 @!p0 $0x1;
	_ =	shalt  }
.Lfunc_end2:
_tile_overlayer_lowered:
.L_overlay_start_2:
0x51: {  	(tag) =	ssettag $0x2  }
0x52: {  	s0 =	rddreg [dreg:$0x0];
	s2 =	stileid.u32  }
0x53: {  	s1 =	rddreg [dreg:$0x1];
	p0 =	sne.s32 s2, $0x0  }
0x54: {  	s3 =	rddreg [dreg:$0x2];
	[bflag:$0x3] =	sbarrier.arrive $0xFFFF;
	s2 =	simm.s32 @!p0 $0x1C05  }
0x55: {  	[timem:s3], [sflag:s2] =	dma.local @!p0 [hbm:s0], s1  }
0x56: {  	s0 =	simm.s32 @!p0 $0x5  }
0x57: {  	_ =	swait.ge @!p0 [sflag:s0], s1  }
0x58: {  	s1 =	ssub.s32 @!p0 $0x0, s1;
	[sflag:s0] =	ssyncset.done @!p0 $0x0  }
0x59: {  	[sflag:s0] =	ssyncadd.s32 @!p0 s1  }
0x5a: {  	[bflag:$0x3] =	sbarrier.arrive $0xFFFF  }
0x5b: {  	_ =	shalt  }

// kernel: kernel.6.cloned.1.call-start
scs
__scs_entry_jumppad:
0x0: {  	(pc) =	sbr.rel $0x88, $3  }
0x1: {  	(tag) =	ssettag $0x0;
	lr =	simm.s32 $0x1  }
0x2: {  	[smem:$0x3F9A] =	sst lr;
	_ =	strace $0xD0000000  }
0x3: {  	_ = 	snop  }
0x4: {  	_ = 	snop  }
0x5: {  	_ = 	snop  }
0x6: {  	_ = 	snop  }
0x7: {  	_ = 	snop  }
__scs_overlays_trampoline_lowered:
0x8: {  	[smem:$0x3FA9] =	sst s0  }
0x9: {  	[smem:$0x3FAA] =	sst s1  }
0xa: {  	[smem:$0x3FAB] =	sst s2  }
0xb: {  	[smem:$0x3FAC] =	sst s3  }
0xc: {  	[smem:$0x3FAD] =	sst s4  }
0xd: {  	[smem:$0x3FAE] =	sst s5  }
0xe: {  	[smem:$0x3FAF] =	sst s6  }
0xf: {  	[smem:$0x3FB0] =	sst s7  }
0x10: {  	[smem:$0x3FB1] =	sst s8  }
0x11: {  	[smem:$0x3FB2] =	sst s9;
	s0 =	simm.s32 @!p0 $0x0  }
0x12: {  	s1 =	sld [smem:$0x3F98];
	s0 =	simm.s32 @p0 $0x1  }
0x13: {  	[smem:$0x3FB3] =	sst s0;
	s0 =	simm.s32 @!p1 $0x0  }
0x14: {  	s2 =	sld [smem:$0x3F97];
	s0 =	simm.s32 @p1 $0x1  }
0x15: {  	[smem:$0x3FB4] =	sst s0;
	s0 =	simm.s32 @!p2 $0x0  }
0x16: {  	s3 =	sld [smem:$0x3FDB];
	s0 =	simm.s32 @p2 $0x1  }
0x17: {  	s4 =	simm.s32 $0x1BF5;
	[smem:$0x3FB6] =	sst s0  }
0x18: {  	s0 =	sld [smem:$0x3F99];
	_ =	swait.ge [sflag:s4], $0x0  }
0x19: {  	s7 =	sld [smem:$0x3F9A]  }
0x1a: {  	s8 =	sadd.s32 $0xFFFFE003, lr  }
0x1b: {  	s9 =	sadd.s32 $0xFFFFFEF7, lr;
	s5 =	simm.s32 $0xFFFFFFFF;
	p2 =	slt.u32 s8, $0xFFFFF086  }
0x1c: {  	p1 =	slt.u32 s9, $0xF7A;
	s5 =	simm.s32 @!p2 $0x0  }
0x1d: {  	s5 =	simm.s32 @p1 $0x1;
	p0 =	seq.s32 s7, s2  }
0x1e: {  	s7 =	smul.u32 @!p0 $0xF7A, s2;
	p2 =	seq.s32 @!p0 s5, $0x0  }
0x1f: {  	s9 =	smul.u32 $0xF7A, s1;
	s8 =	simm.s32 @!p0 $0x1BF5;
	p2 =	por !p2, p0  }
0x20: {  	[sflag:s8] =	ssyncset.s32 @!p0 $0xFFFFF086;
	s6 =	sadd.s32 @!p0 s3, s7;
	s7 =	simm.s32 @!p0 $0x108  }
0x21: {  	s3 =	sadd.s32 s3, s9;
	s6 =	sadd.s32 @!p0 $0x88, s6;
	s7 =	simm.s32 @p2 $0x1082  }
0x22: {  	[simem:s7], [sflag:s8] =	dma.local @!p0 [hbm:s6], $0xF7A  }
0x23: {  	s9 =	sor.u32 $0xD0000000, s2;
	s6 =	simm.s32 $0x108;
	_ =	swait.ge @!p0 [sflag:s8], $0x0  }
0x24: {  	s3 =	sadd.s32 $0x88, s3;
	s6 =	simm.s32 @!p1 $0x1082;
	[sflag:s4] =	ssyncset.s32 $0xFFFFF086  }
0x25: {  	[simem:s6], [sflag:s4] =	dma.local [hbm:s3], $0xF7A  }
0x26: {  	[smem:$0x3F9A] =	sst s1;
	(tag) =	ssettag s2;
	_ =	strace s9  }
0x27: {  	s1 =	sld [smem:$0x3FAA]  }
0x28: {  	s2 =	sld [smem:$0x3FAB]  }
0x29: {  	s4 =	sld [smem:$0x3FAD]  }
0x2a: {  	p0 =	seq.s32 s5, $0x0;
	s5 =	sld [smem:$0x3FAE]  }
0x2b: {  	s6 =	sld [smem:$0x3FAF]  }
0x2c: {  	s7 =	sld [smem:$0x3FB0]  }
0x2d: {  	s3 =	simm.s32 $0x108;
	s8 =	sld [smem:$0x3FB1]  }
0x2e: {  	s3 =	simm.s32 @!p0 $0x1082;
	s9 =	sld [smem:$0x3FB2]  }
0x2f: {  	lr =	sadd.s32 s0, s3;
	s0 =	sld [smem:$0x3FA9]  }
0x30: {  	s3 =	sld [smem:$0x3FAC]  }
0x31: {  	[smem:$0x3FB5] =	sst s10  }
0x32: {  	s10 =	sld [smem:$0x3FB3];
	_ =	sdelay $0x3  }
0x33: {  	p0 =	seq.s32 s10, $0x1;
	s10 =	sld [smem:$0x3FB5];
	_ =	sdelay $0x3  }
0x34: {  	[smem:$0x3FB5] =	sst s10  }
0x35: {  	s10 =	sld [smem:$0x3FB4];
	_ =	sdelay $0x3  }
0x36: {  	p1 =	seq.s32 s10, $0x1;
	s10 =	sld [smem:$0x3FB5];
	_ =	sdelay $0x3  }
0x37: {  	[smem:$0x3FB5] =	sst s10  }
0x38: {  	s10 =	sld [smem:$0x3FB6]  }
0x39: {  	_ = 	snop;
	(pc) =	sbr.ind lr, $3  }
0x3a: {  	_ = 	snop  }
0x3b: {  	_ = 	snop  }
0x3c: {  	p2 =	seq.s32 s10, $0x1;
	s10 =	sld [smem:$0x3FB5]  }
0x3d: {  	_ =	shalt  }
0x3e: {  	_ =	shalt  }
0x3f: {  	_ =	shalt  }
0x40: {  	_ =	shalt  }
0x41: {  	_ =	shalt  }
0x42: {  	_ =	shalt  }
0x43: {  	_ =	shalt  }
0x44: {  	_ =	shalt  }
0x45: {  	_ =	shalt  }
0x46: {  	_ =	shalt  }
0x47: {  	_ =	shalt  }
0x48: {  	_ =	shalt  }
0x49: {  	_ =	shalt  }
0x4a: {  	_ =	shalt  }
0x4b: {  	_ =	shalt  }
0x4c: {  	_ =	shalt  }
0x4d: {  	_ =	shalt  }
0x4e: {  	_ =	shalt  }
0x4f: {  	_ =	shalt  }
0x50: {  	_ =	shalt  }
0x51: {  	_ =	shalt  }
0x52: {  	_ =	shalt  }
0x53: {  	_ =	shalt  }
0x54: {  	_ =	shalt  }
0x55: {  	_ =	shalt  }
0x56: {  	_ =	shalt  }
0x57: {  	_ =	shalt  }
0x58: {  	_ =	shalt  }
0x59: {  	_ =	shalt  }
0x5a: {  	_ =	shalt  }
0x5b: {  	_ =	shalt  }
0x5c: {  	_ =	shalt  }
0x5d: {  	_ =	shalt  }
0x5e: {  	_ =	shalt  }
0x5f: {  	_ =	shalt  }
0x60: {  	_ =	shalt  }
0x61: {  	_ =	shalt  }
0x62: {  	_ =	shalt  }
0x63: {  	_ =	shalt  }
0x64: {  	_ =	shalt  }
0x65: {  	_ =	shalt  }
0x66: {  	_ =	shalt  }
0x67: {  	_ =	shalt  }
0x68: {  	_ =	shalt  }
0x69: {  	_ =	shalt  }
0x6a: {  	_ =	shalt  }
0x6b: {  	_ =	shalt  }
0x6c: {  	_ =	shalt  }
0x6d: {  	_ =	shalt  }
0x6e: {  	_ =	shalt  }
0x6f: {  	_ =	shalt  }
0x70: {  	_ =	shalt  }
0x71: {  	_ =	shalt  }
0x72: {  	_ =	shalt  }
0x73: {  	_ =	shalt  }
0x74: {  	_ =	shalt  }
0x75: {  	_ =	shalt  }
0x76: {  	_ =	shalt  }
0x77: {  	_ =	shalt  }
0x78: {  	_ =	shalt  }
0x79: {  	_ =	shalt  }
0x7a: {  	_ =	shalt  }
0x7b: {  	_ =	shalt  }
0x7c: {  	_ =	shalt  }
0x7d: {  	_ =	shalt  }
0x7e: {  	_ =	shalt  }
0x7f: {  	_ =	shalt  }
0x80: {  	_ =	shalt  }
0x81: {  	_ =	shalt  }
0x82: {  	_ =	shalt  }
0x83: {  	_ =	shalt  }
0x84: {  	_ =	shalt  }
0x85: {  	_ =	shalt  }
0x86: {  	_ =	shalt  }
0x87: {  	_ =	shalt  }
.Lfunc_end0:
.L_simem_size_0:
called_computation_lowered:
.L_overlay_start_0:
0x88: {  	s2 =	sld [smem:$0x3FD9]  }
0x89: {  	s3 =	sld [smem:$0x3FFE];
	_ =	sdelay $0x1  }
0x8a: {  	s1 =	srdreg.scid  }
0x8b: {  	s0 =	sand.u32 $0x1, s1  }
0x8c: {  	s17 =	sshll.u32 s0, $0xA;
	s2 =	sadd.s32 s3, s2  }
0x8d: {  	s2 =	sadd.s32 s2, s17  }
0x8e: {  	[smem:$0x3FC1] =	sst s2  }
0x8f: {  	_ = 	snop  }
0x90: {  	s2 =	sld [smem:$0x3FC9]  }
0x91: {  	s18 =	sld [smem:$0x3FC7];
	(tm) =	ssettm $0x1  }
0x92: {  	s4 =	sld [smem:$0x3FFB];
	_ =	sdelay $0x3  }
0x93: {  	_ =	strace s4  }
0x94: {  	s4 =	sld [smem:$0x3FFC];
	_ =	sdelay $0x3  }
0x95: {  	_ =	strace s4  }
0x96: {  	s4 =	sld [smem:$0x3FFD];
	_ =	sdelay $0x3  }
0x97: {  	_ =	strace s4  }
0x98: {  	_ =	strace $0x8FFFFFFF  }
0x99: {  	s19 =	sld [smem:$0x3FDB];
	_ =	sdelay $0x1  }
0x9a: {  	s5 =	simm.s32 $_scs_section_size  }
0x9b: {  	s6 =	simm.s32 $_size__tile_overlayer_lowered;
	s7 =	simm.s32 $_tile_overlayer_lowered  }
0x9c: {  	s22 =	simm.s32 $0x1BFF;
	s21 =	sshll.u32 s7, $0x1;
	s4 =	sadd.s32 s5, s19  }
0x9d: {  	s8 =	simm.s32 $0x0;
	s20 =	sshll.u32 s6, $0x1;
	s6 =	sadd.s32 s21, s4  }
0x9e: {  	[timem:s8], [sflag:s22] =	dma.local [hbm:s6], s20  }
0x9f: {  	_ =	swait.ge [sflag:s22], s20  }
0xa0: {  	s5 =	ssub.s32 $0x0, s20;
	[sflag:s22] =	ssyncset.done $0x0  }
0xa1: {  	[sflag:s22] =	ssyncadd.s32 s5;
	_ =	sdelay $0x1  }
0xa2: {  	s23 =	simm.s32 $0x1B8B  }
0xa3: {  	_ =	swait.ge [sflag:s23], $0x1  }
0xa4: {  	[sflag:s23] =	ssyncset.done $0x0  }
0xa5: {  	s25 =	simm.s32 $0x1B8E;
	s24 =	sld [smem:$0x3FFE];
	[sflag:s23] =	ssyncadd.s32 $0xFFFFFFFF  }
0xa6: {  	s26 =	simm.s32 $execute0_lowered;
	[smem:$0x3FD2] =	sst s25  }
0xa7: {  	s6 =	sshll.u32 s26, $0x1;
	_ =	strace $0x80000046;
	[dreg:$0x1] =	wrdreg $0xFFFFFFFF  }
0xa8: {  	s28 =	simm.s32 $_size_execute0_lowered;
	s4 =	sadd.s32 s4, s6;
	[dreg:$0x0] =	wrdreg $0x0  }
0xa9: {  	s6 =	sshll.u32 s28, $0x1;
	[dreg:$0x2] =	wrdreg s4  }
0xaa: {  	[dreg:$0x3] =	wrdreg s6  }
0xab: {  	[dreg:$0x4] =	wrdreg $0xC0  }
0xac: {  	_ =	task [dreg:s8], $0x5FFFF  }
0xad: {  	[dreg:$0x1] =	wrdreg $0xFFFFFFFF  }
0xae: {  	[dreg:$0x0] =	wrdreg $0x60  }
0xaf: {  	[dreg:$0x2] =	wrdreg s2  }
0xb0: {  	[dreg:$0x3] =	wrdreg s18  }
0xb1: {  	[dreg:$0x4] =	wrdreg s24  }
0xb2: {  	[dreg:$0x5] =	wrdreg $0x9  }
0xb3: {  	_ =	task.clear_ibuf [dreg:s8], $0x6FFFF;
	_ =	strace $0x90000046  }
0xb4: {  	s29 =	simm.s32 $0x9;
	_ =	strace $0x80000048  }
0xb5: {  	_ =	swait.ge [sflag:s29], $0x1  }
0xb6: {  	[sflag:s29] =	ssyncadd.s32 $0xFFFFFFFF  }
0xb7: {  	_ =	strace $0x90000048  }
0xb8: {  	_ =	sfence  }
0xb9: {  	s30 =	sld [smem:$0x0];
	_ =	sdelay $0x2  }
0xba: {  	s31 =	sshll.u32 s1, $0xD;
	s1 =	sshrl.u32 s1, $0x2  }
0xbb: {  	s3 =	sand.u32 $0x4000, s31;
	s1 =	sadd.s32 s1, s30  }
0xbc: {  	s0 =	sor.u32 s3, s0;
	s1 =	sshll.u32 s1, $0x11  }
0xbd: {  	s0 =	sor.u32 s1, s0  }
0xbe: {  	s0 =	sadd.s32 $0x8F2B, s0  }
0xbf: {  	[sflag:s0] =	ssyncadd.remote.s32 $0x1  }
0xc0: {  	_ =	sfence.sel $0xFFFF  }
0xc1: {  	[dreg:$0x0] =	wrdreg $0xFFFFFFFF;
	(pc) =	sbr.abs _section_cstart, $3  }
0xc2: {  	[dreg:$0x1] =	wrdreg $0xFFFFFFFF  }
0xc3: {  	_ =	task.clear_ibuf [dreg:s8], $0x2FFFF;
	_ =	strace $0x9FFFFFFF  }
0xc4: {  	(tm) =	ssettm $0x7FFFFFFF  }
0xc5: {  	_ =	shalt  }
tec
execute0_lowered:
.L_overlay_start_1:
0x0: {  	(tag) =	ssettag $0x1  }
0x1: {  	s1 =	rddreg [dreg:$0x0];
	s2 =	srdreg.scid  }
0x2: {  	s4 =	rddreg [dreg:$0x1];
	s0 =	stileid.u32;
	s14 =	sand.u32 $0x1, s2  }
0x3: {  	s15 =	rddreg [dreg:$0x2];
	s5 =	sshll.u32 s0, $0xA;
	s6 =	sshll.u32 s14, $0x9  }
0x4: {  	s3 =	simm.s32 $0x0;
	s2 =	rddreg [dreg:$0x3];
	s16 =	sor.u32 s6, s5  }
0x5: {  	[smem:$0x7FF] =	sst s3;
	s5 =	sshrl.u32 s16, $0x3  }
0x6: {  	_ =	strace $0x80000047;
	s5 =	sadd.s32 s4, s5;
	s4 =	simm.s32 $0x2  }
0x7: {  	[tilespmem:s3], [sflag:$0x2] =	stream.linear.gather [hbm4b:s5+s3], $0x200, $0x38;
	[tilespmem:$0x10200] =	vst v63  }
0x8: {  	_ =	swait.ge [sflag:s4], $0x200  }
0x9: {  	[sflag:s4] =	ssyncset.done $0x0  }
0xa: {  	s7 =	simm.s32 $0x200;
	s6 =	simm.s32 $0x80;
	[sflag:s4] =	ssyncadd.s32 $0xFFFFFE00  }
0xb: {  	[tilespmem:s7], [sflag:$0x1] =	stream.indirect.gather [hbm4b:s1+s6], $0x80, s3, s6, $0xb8;
	[tilespmem:$0x10200] =	vst v63  }
0xc: {  	s8 =	simm.s32 $0x4200  }
0xd: {  	[tilespmem:s8], [sflag:$0x1] =	stream.indirect.gather [hbm4b:s1+s6], $0x80, s6, s6, $0xb8;
	[tilespmem:$0x10200] =	vst v63  }
0xe: {  	s9 =	simm.s32 $0x100;
	s10 =	simm.s32 $0x8200  }
0xf: {  	[tilespmem:s10], [sflag:$0x1] =	stream.indirect.gather [hbm4b:s1+s6], $0x80, s9, s6, $0xb8;
	[tilespmem:$0x10200] =	vst v63  }
0x10: {  	s11 =	simm.s32 $0x180;
	s12 =	simm.s32 $0xC200;
	s13 =	simm.s32 $0x1  }
0x11: {  	[tilespmem:s12], [sflag:$0x1] =	stream.indirect.gather [hbm4b:s1+s6], $0x80, s11, s6, $0xb8;
	[tilespmem:$0x10200] =	vst v63  }
0x12: {  	_ =	swait.ge [sflag:s13], $0x4000  }
0x13: {  	[sflag:s13] =	ssyncset.done $0x0  }
0x14: {  	[sflag:s13] =	ssyncadd.s32 $0xFFFFC000  }
0x15: {  	_ =	swait.ge [sflag:s13], $0x4000  }
0x16: {  	[sflag:s13] =	ssyncset.done $0x0  }
0x17: {  	s14 =	ssub.s32 $0x2, s14;
	[sflag:s13] =	ssyncadd.s32 $0xFFFFC000  }
0x18: {  	s17 =	sshrl.u32 s14, $0x1;
	_ =	swait.ge [sflag:s13], $0x4000  }
0x19: {  	s30 =	ssub.s32 s14, s17;
	[sflag:s13] =	ssyncset.done $0x0  }
0x1a: {  	s31 =	smax.u32 s30, $0x1;
	[sflag:s13] =	ssyncadd.s32 $0xFFFFC000  }
0x1b: {  	s16 =	sshll.u32 s16, $0x4;
	p0 =	sne.s32 s31, $0x1;
	_ =	swait.ge [sflag:s13], $0x4000  }
.Ltmp0:
0x1c: {  	s15 =	sadd.s32 s16, s15;
	[sflag:s13] =	ssyncset.done $0x0;
	(pc) =	sbr.rel @!p0 .LBB2_2-.Ltmp0, $4  }
0x1d: {  	s14 =	sadd.s32 $0x1E00, s15;
	[sflag:s13] =	ssyncadd.s32 $0xFFFFC000  }
0x1e: {  	[hbm4b:s14+s3] =	stream.linear.scatter [tilespmem:s7], [sflag:$0x2], $0x10000, $0x38;
	[tilespmem:$0x10200] =	vst v63  }
0x1f: {  	_ =	swait.ge [sflag:s4], $0x10000  }
0x20: {  	s15 =	sadd.s32 $0xFFFFFFFF, s31;
	[sflag:s4] =	ssyncset.done $0x0  }
.LBB2_1:
0x21: {  	p0 =	sne.s32 s15, $0x1;
	s15 =	sadd.s32 $0xFFFFFFFF, s15;
	[sflag:s4] =	ssyncadd.s32 $0xFFFF0000  }
0x22: {  	[tilespmem:s3], [sflag:$0x2] =	stream.linear.gather [hbm4b:s5+s3], $0x200, $0x38;
	[tilespmem:$0x10200] =	vst v63  }
0x23: {  	_ =	swait.ge [sflag:s4], $0x200  }
0x24: {  	[sflag:s4] =	ssyncset.done $0x0  }
0x25: {  	[sflag:s4] =	ssyncadd.s32 $0xFFFFFE00  }
0x26: {  	[tilespmem:s7], [sflag:$0x1] =	stream.indirect.gather [hbm4b:s1+s6], $0x80, s3, s6, $0xb8;
	[tilespmem:$0x10200] =	vst v63  }
0x27: {  	_ = 	snop  }
0x28: {  	[tilespmem:s8], [sflag:$0x1] =	stream.indirect.gather [hbm4b:s1+s6], $0x80, s6, s6, $0xb8;
	[tilespmem:$0x10200] =	vst v63  }
0x29: {  	_ = 	snop  }
0x2a: {  	[tilespmem:s10], [sflag:$0x1] =	stream.indirect.gather [hbm4b:s1+s6], $0x80, s9, s6, $0xb8;
	[tilespmem:$0x10200] =	vst v63  }
0x2b: {  	_ = 	snop  }
0x2c: {  	[tilespmem:s12], [sflag:$0x1] =	stream.indirect.gather [hbm4b:s1+s6], $0x80, s11, s6, $0xb8;
	[tilespmem:$0x10200] =	vst v63  }
0x2d: {  	_ =	swait.ge [sflag:s13], $0x4000  }
0x2e: {  	[sflag:s13] =	ssyncset.done $0x0  }
0x2f: {  	[sflag:s13] =	ssyncadd.s32 $0xFFFFC000  }
0x30: {  	_ =	swait.ge [sflag:s13], $0x4000  }
0x31: {  	[sflag:s13] =	ssyncset.done $0x0  }
0x32: {  	[sflag:s13] =	ssyncadd.s32 $0xFFFFC000  }
0x33: {  	_ =	swait.ge [sflag:s13], $0x4000  }
0x34: {  	[sflag:s13] =	ssyncset.done $0x0  }
0x35: {  	[sflag:s13] =	ssyncadd.s32 $0xFFFFC000  }
0x36: {  	_ =	swait.ge [sflag:s13], $0x4000  }
.Ltmp1:
0x37: {  	[sflag:s13] =	ssyncset.done $0x0;
	(pc) =	sbr.rel @p0 .LBB2_1-.Ltmp1, $4  }
0x38: {  	[sflag:s13] =	ssyncadd.s32 $0xFFFFC000  }
0x39: {  	[hbm4b:s14+s3] =	stream.linear.scatter [tilespmem:s7], [sflag:$0x2], $0x10000, $0x38;
	[tilespmem:$0x10200] =	vst v63  }
0x3a: {  	_ =	swait.ge [sflag:s4], $0x10000  }
0x3b: {  	[sflag:s4] =	ssyncset.done $0x0  }
.LBB2_2:
0x3c: {  	[sflag:s4] =	ssyncadd.s32 $0xFFFF0000  }
0x3d: {  	_ =	sfence.sel $0x180000  }
0x3e: {  	[bflag:$0x0] =	sbarrier.arrive $0xFFFF  }
0x3f: {  	p0 =	sne.s32 s0, $0x0;
	_ =	strace $0x90000047  }
0x40: {  	s0 =	sadd.s32 @!p0 $0x100000, s2;
	[bflag:$0x2] =	sbarrier.arrive $0xFFFF  }
0x41: {  	[sflag:s0] =	ssyncadd.tile.s32 @!p0 $0x1;
	_ =	shalt  }
.Lfunc_end2:
_tile_overlayer_lowered:
.L_overlay_start_2:
0x42: {  	(tag) =	ssettag $0x2  }
0x43: {  	s0 =	rddreg [dreg:$0x0];
	s2 =	stileid.u32  }
0x44: {  	s1 =	rddreg [dreg:$0x1];
	p0 =	sne.s32 s2, $0x0  }
0x45: {  	s3 =	rddreg [dreg:$0x2];
	[bflag:$0x3] =	sbarrier.arrive $0xFFFF;
	s2 =	simm.s32 @!p0 $0x1C02  }
0x46: {  	[timem:s3], [sflag:s2] =	dma.local @!p0 [hbm:s0], s1  }
0x47: {  	s0 =	simm.s32 @!p0 $0x2  }
0x48: {  	_ =	swait.ge @!p0 [sflag:s0], s1  }
0x49: {  	s1 =	ssub.s32 @!p0 $0x0, s1;
	[sflag:s0] =	ssyncset.done @!p0 $0x0  }
0x4a: {  	[sflag:s0] =	ssyncadd.s32 @!p0 s1  }
0x4b: {  	[bflag:$0x3] =	sbarrier.arrive $0xFFFF  }
0x4c: {  	_ =	shalt  }

// kernel: kernel.9.cloned.1.call-start
scs
__scs_entry_jumppad:
0x0: {  	(pc) =	sbr.rel $0x88, $3  }
0x1: {  	(tag) =	ssettag $0x0;
	lr =	simm.s32 $0x1  }
0x2: {  	[smem:$0x3F9A] =	sst lr;
	_ =	strace $0xD0000000  }
0x3: {  	_ = 	snop  }
0x4: {  	_ = 	snop  }
0x5: {  	_ = 	snop  }
0x6: {  	_ = 	snop  }
0x7: {  	_ = 	snop  }
__scs_overlays_trampoline_lowered:
0x8: {  	[smem:$0x3FA9] =	sst s0  }
0x9: {  	[smem:$0x3FAA] =	sst s1  }
0xa: {  	[smem:$0x3FAB] =	sst s2  }
0xb: {  	[smem:$0x3FAC] =	sst s3  }
0xc: {  	[smem:$0x3FAD] =	sst s4  }
0xd: {  	[smem:$0x3FAE] =	sst s5  }
0xe: {  	[smem:$0x3FAF] =	sst s6  }
0xf: {  	[smem:$0x3FB0] =	sst s7  }
0x10: {  	[smem:$0x3FB1] =	sst s8  }
0x11: {  	[smem:$0x3FB2] =	sst s9;
	s0 =	simm.s32 @!p0 $0x0  }
0x12: {  	s1 =	sld [smem:$0x3F98];
	s0 =	simm.s32 @p0 $0x1  }
0x13: {  	[smem:$0x3FB3] =	sst s0;
	s0 =	simm.s32 @!p1 $0x0  }
0x14: {  	s2 =	sld [smem:$0x3F97];
	s0 =	simm.s32 @p1 $0x1  }
0x15: {  	[smem:$0x3FB4] =	sst s0;
	s0 =	simm.s32 @!p2 $0x0  }
0x16: {  	s3 =	sld [smem:$0x3FDB];
	s0 =	simm.s32 @p2 $0x1  }
0x17: {  	s4 =	simm.s32 $0x1BF5;
	[smem:$0x3FB6] =	sst s0  }
0x18: {  	s0 =	sld [smem:$0x3F99];
	_ =	swait.ge [sflag:s4], $0x0  }
0x19: {  	s7 =	sld [smem:$0x3F9A]  }
0x1a: {  	s8 =	sadd.s32 $0xFFFFE003, lr  }
0x1b: {  	s9 =	sadd.s32 $0xFFFFFEF7, lr;
	s5 =	simm.s32 $0xFFFFFFFF;
	p2 =	slt.u32 s8, $0xFFFFF086  }
0x1c: {  	p1 =	slt.u32 s9, $0xF7A;
	s5 =	simm.s32 @!p2 $0x0  }
0x1d: {  	s5 =	simm.s32 @p1 $0x1;
	p0 =	seq.s32 s7, s2  }
0x1e: {  	s7 =	smul.u32 @!p0 $0xF7A, s2;
	p2 =	seq.s32 @!p0 s5, $0x0  }
0x1f: {  	s9 =	smul.u32 $0xF7A, s1;
	s8 =	simm.s32 @!p0 $0x1BF5;
	p2 =	por !p2, p0  }
0x20: {  	[sflag:s8] =	ssyncset.s32 @!p0 $0xFFFFF086;
	s6 =	sadd.s32 @!p0 s3, s7;
	s7 =	simm.s32 @!p0 $0x108  }
0x21: {  	s3 =	sadd.s32 s3, s9;
	s6 =	sadd.s32 @!p0 $0x88, s6;
	s7 =	simm.s32 @p2 $0x1082  }
0x22: {  	[simem:s7], [sflag:s8] =	dma.local @!p0 [hbm:s6], $0xF7A  }
0x23: {  	s9 =	sor.u32 $0xD0000000, s2;
	s6 =	simm.s32 $0x108;
	_ =	swait.ge @!p0 [sflag:s8], $0x0  }
0x24: {  	s3 =	sadd.s32 $0x88, s3;
	s6 =	simm.s32 @!p1 $0x1082;
	[sflag:s4] =	ssyncset.s32 $0xFFFFF086  }
0x25: {  	[simem:s6], [sflag:s4] =	dma.local [hbm:s3], $0xF7A  }
0x26: {  	[smem:$0x3F9A] =	sst s1;
	(tag) =	ssettag s2;
	_ =	strace s9  }
0x27: {  	s1 =	sld [smem:$0x3FAA]  }
0x28: {  	s2 =	sld [smem:$0x3FAB]  }
0x29: {  	s4 =	sld [smem:$0x3FAD]  }
0x2a: {  	p0 =	seq.s32 s5, $0x0;
	s5 =	sld [smem:$0x3FAE]  }
0x2b: {  	s6 =	sld [smem:$0x3FAF]  }
0x2c: {  	s7 =	sld [smem:$0x3FB0]  }
0x2d: {  	s3 =	simm.s32 $0x108;
	s8 =	sld [smem:$0x3FB1]  }
0x2e: {  	s3 =	simm.s32 @!p0 $0x1082;
	s9 =	sld [smem:$0x3FB2]  }
0x2f: {  	lr =	sadd.s32 s0, s3;
	s0 =	sld [smem:$0x3FA9]  }
0x30: {  	s3 =	sld [smem:$0x3FAC]  }
0x31: {  	[smem:$0x3FB5] =	sst s10  }
0x32: {  	s10 =	sld [smem:$0x3FB3];
	_ =	sdelay $0x3  }
0x33: {  	p0 =	seq.s32 s10, $0x1;
	s10 =	sld [smem:$0x3FB5];
	_ =	sdelay $0x3  }
0x34: {  	[smem:$0x3FB5] =	sst s10  }
0x35: {  	s10 =	sld [smem:$0x3FB4];
	_ =	sdelay $0x3  }
0x36: {  	p1 =	seq.s32 s10, $0x1;
	s10 =	sld [smem:$0x3FB5];
	_ =	sdelay $0x3  }
0x37: {  	[smem:$0x3FB5] =	sst s10  }
0x38: {  	s10 =	sld [smem:$0x3FB6]  }
0x39: {  	_ = 	snop;
	(pc) =	sbr.ind lr, $3  }
0x3a: {  	_ = 	snop  }
0x3b: {  	_ = 	snop  }
0x3c: {  	p2 =	seq.s32 s10, $0x1;
	s10 =	sld [smem:$0x3FB5]  }
0x3d: {  	_ =	shalt  }
0x3e: {  	_ =	shalt  }
0x3f: {  	_ =	shalt  }
0x40: {  	_ =	shalt  }
0x41: {  	_ =	shalt  }
0x42: {  	_ =	shalt  }
0x43: {  	_ =	shalt  }
0x44: {  	_ =	shalt  }
0x45: {  	_ =	shalt  }
0x46: {  	_ =	shalt  }
0x47: {  	_ =	shalt  }
0x48: {  	_ =	shalt  }
0x49: {  	_ =	shalt  }
0x4a: {  	_ =	shalt  }
0x4b: {  	_ =	shalt  }
0x4c: {  	_ =	shalt  }
0x4d: {  	_ =	shalt  }
0x4e: {  	_ =	shalt  }
0x4f: {  	_ =	shalt  }
0x50: {  	_ =	shalt  }
0x51: {  	_ =	shalt  }
0x52: {  	_ =	shalt  }
0x53: {  	_ =	shalt  }
0x54: {  	_ =	shalt  }
0x55: {  	_ =	shalt  }
0x56: {  	_ =	shalt  }
0x57: {  	_ =	shalt  }
0x58: {  	_ =	shalt  }
0x59: {  	_ =	shalt  }
0x5a: {  	_ =	shalt  }
0x5b: {  	_ =	shalt  }
0x5c: {  	_ =	shalt  }
0x5d: {  	_ =	shalt  }
0x5e: {  	_ =	shalt  }
0x5f: {  	_ =	shalt  }
0x60: {  	_ =	shalt  }
0x61: {  	_ =	shalt  }
0x62: {  	_ =	shalt  }
0x63: {  	_ =	shalt  }
0x64: {  	_ =	shalt  }
0x65: {  	_ =	shalt  }
0x66: {  	_ =	shalt  }
0x67: {  	_ =	shalt  }
0x68: {  	_ =	shalt  }
0x69: {  	_ =	shalt  }
0x6a: {  	_ =	shalt  }
0x6b: {  	_ =	shalt  }
0x6c: {  	_ =	shalt  }
0x6d: {  	_ =	shalt  }
0x6e: {  	_ =	shalt  }
0x6f: {  	_ =	shalt  }
0x70: {  	_ =	shalt  }
0x71: {  	_ =	shalt  }
0x72: {  	_ =	shalt  }
0x73: {  	_ =	shalt  }
0x74: {  	_ =	shalt  }
0x75: {  	_ =	shalt  }
0x76: {  	_ =	shalt  }
0x77: {  	_ =	shalt  }
0x78: {  	_ =	shalt  }
0x79: {  	_ =	shalt  }
0x7a: {  	_ =	shalt  }
0x7b: {  	_ =	shalt  }
0x7c: {  	_ =	shalt  }
0x7d: {  	_ =	shalt  }
0x7e: {  	_ =	shalt  }
0x7f: {  	_ =	shalt  }
0x80: {  	_ =	shalt  }
0x81: {  	_ =	shalt  }
0x82: {  	_ =	shalt  }
0x83: {  	_ =	shalt  }
0x84: {  	_ =	shalt  }
0x85: {  	_ =	shalt  }
0x86: {  	_ =	shalt  }
0x87: {  	_ =	shalt  }
.Lfunc_end0:
.L_simem_size_0:
called_computation.1_lowered:
.L_overlay_start_0:
0x88: {  	s2 =	sld [smem:$0x3FD9]  }
0x89: {  	s3 =	sld [smem:$0x3FFE];
	_ =	sdelay $0x1  }
0x8a: {  	s1 =	srdreg.scid  }
0x8b: {  	s0 =	sand.u32 $0x1, s1  }
0x8c: {  	s17 =	sshll.u32 s0, $0xA;
	s2 =	sadd.s32 s3, s2  }
0x8d: {  	s2 =	sadd.s32 s2, s17  }
0x8e: {  	[smem:$0x3FC1] =	sst s2  }
0x8f: {  	_ = 	snop  }
0x90: {  	s18 =	sld [smem:$0x3FC7];
	(tm) =	ssettm $0x1  }
0x91: {  	s19 =	sld [smem:$0x3FFB];
	_ =	sdelay $0x3  }
0x92: {  	_ =	strace s19  }
0x93: {  	s2 =	sld [smem:$0x3FFC];
	_ =	sdelay $0x3  }
0x94: {  	_ =	strace s2  }
0x95: {  	s2 =	sld [smem:$0x3FFD];
	_ =	sdelay $0x3  }
0x96: {  	_ =	strace s2  }
0x97: {  	_ =	strace $0x8FFFFFFF  }
0x98: {  	s20 =	sld [smem:$0x3FDB];
	_ =	sdelay $0x1  }
0x99: {  	s4 =	simm.s32 $_scs_section_size  }
0x9a: {  	s5 =	simm.s32 $_size__tile_overlayer_lowered;
	s6 =	simm.s32 $_tile_overlayer_lowered  }
0x9b: {  	s7 =	simm.s32 $0x1BFF;
	s21 =	sshll.u32 s6, $0x1;
	s4 =	sadd.s32 s4, s20  }
0x9c: {  	s22 =	simm.s32 $0x0;
	s5 =	sshll.u32 s5, $0x1;
	s6 =	sadd.s32 s21, s4  }
0x9d: {  	[timem:s22], [sflag:s7] =	dma.local [hbm:s6], s5  }
0x9e: {  	_ =	swait.ge [sflag:s7], s5  }
0x9f: {  	s5 =	ssub.s32 $0x0, s5;
	[sflag:s7] =	ssyncset.done $0x0  }
0xa0: {  	[sflag:s7] =	ssyncadd.s32 s5;
	_ =	sdelay $0x1  }
0xa1: {  	s23 =	simm.s32 $0x1B8B  }
0xa2: {  	_ =	swait.ge [sflag:s23], $0x1  }
0xa3: {  	[sflag:s23] =	ssyncset.done $0x0  }
0xa4: {  	[sflag:s23] =	ssyncadd.s32 $0xFFFFFFFF  }
0xa5: {  	s5 =	sld [smem:$0x0]  }
0xa6: {  	s6 =	sand.u32 $0xFFFFFFFE, s1  }
0xa7: {  	p0 =	sne.s32 s1, s6  }
0xa8: {  	s6 =	sshll.u32 @p0 s6, $0xE  }
0xa9: {  	s6 =	sadd.s32 @p0 $0x11B8D, s6;
	s7 =	sshll.u32 @p0 s5, $0x11  }
0xaa: {  	s6 =	sor.u32 @p0 s7, s6  }
0xab: {  	[sflag:s6] =	ssyncadd.remote.s32 @p0 $0x1;
	_ =	sdelay $0x1  }
0xac: {  	s6 =	simm.s32 @p0 $0x1B8D  }
0xad: {  	_ =	swait.eq @p0 [sflag:s6], $0x1  }
0xae: {  	[sflag:s6] =	ssyncadd.s32 @p0 $0xFFFFFFFF  }
0xaf: {  	s7 =	sshll.u32 @!p0 s1, $0xE  }
0xb0: {  	s7 =	sor.u32 @!p0 $0x4000, s7;
	s6 =	simm.s32 @!p0 $0x1B8D  }
0xb1: {  	s5 =	sshll.u32 @!p0 s5, $0x11;
	s7 =	sadd.s32 @!p0 $0x11B8D, s7;
	_ =	swait.eq @!p0 [sflag:s6], $0x1  }
0xb2: {  	s5 =	sor.u32 @!p0 s5, s7;
	[sflag:s6] =	ssyncadd.s32 @!p0 $0xFFFFFFFF  }
0xb3: {  	s25 =	simm.s32 $0x1B8E;
	s24 =	sld [smem:$0x3FFE];
	[sflag:s5] =	ssyncadd.remote.s32 @!p0 $0x1  }
0xb4: {  	s26 =	simm.s32 $execute0_lowered;
	[smem:$0x3FD2] =	sst s25  }
0xb5: {  	s6 =	sshll.u32 s26, $0x1;
	_ =	strace $0x80000049;
	[dreg:$0x1] =	wrdreg $0xFFFFFFFF  }
0xb6: {  	s28 =	simm.s32 $_size_execute0_lowered;
	s4 =	sadd.s32 s4, s6;
	[dreg:$0x0] =	wrdreg $0x0  }
0xb7: {  	s6 =	sshll.u32 s28, $0x1;
	[dreg:$0x2] =	wrdreg s4  }
0xb8: {  	[dreg:$0x3] =	wrdreg s6  }
0xb9: {  	[dreg:$0x4] =	wrdreg $0xC0  }
0xba: {  	_ =	task [dreg:s22], $0x5FFFF  }
0xbb: {  	[dreg:$0x1] =	wrdreg $0xFFFFFFFF  }
0xbc: {  	[dreg:$0x0] =	wrdreg $0x60  }
0xbd: {  	[dreg:$0x2] =	wrdreg s18  }
0xbe: {  	[dreg:$0x3] =	wrdreg s24  }
0xbf: {  	[dreg:$0x4] =	wrdreg $0xA  }
0xc0: {  	_ =	task.clear_ibuf [dreg:s22], $0x5FFFF;
	_ =	strace $0x90000049  }
0xc1: {  	s29 =	simm.s32 $0xA;
	_ =	strace $0x8000004B  }
0xc2: {  	_ =	swait.ge [sflag:s29], $0x1  }
0xc3: {  	[sflag:s29] =	ssyncadd.s32 $0xFFFFFFFF  }
0xc4: {  	_ =	strace $0x9000004B  }
0xc5: {  	_ =	sfence  }
0xc6: {  	s30 =	sld [smem:$0x0];
	_ =	sdelay $0x2  }
0xc7: {  	s31 =	sshll.u32 s1, $0xD;
	s1 =	sshrl.u32 s1, $0x2  }
0xc8: {  	s4 =	sand.u32 $0x4000, s31;
	s1 =	sadd.s32 s1, s30  }
0xc9: {  	s0 =	sor.u32 s4, s0;
	s1 =	sshll.u32 s1, $0x11  }
0xca: {  	s0 =	sor.u32 s1, s0  }
0xcb: {  	s0 =	sadd.s32 $0x8F2B, s0  }
0xcc: {  	[sflag:s0] =	ssyncadd.remote.s32 $0x1  }
0xcd: {  	_ =	sfence.sel $0xFFFF  }
0xce: {  	[dreg:$0x0] =	wrdreg $0xFFFFFFFF;
	(pc) =	sbr.abs _section_cstart, $3  }
0xcf: {  	[dreg:$0x1] =	wrdreg $0xFFFFFFFF  }
0xd0: {  	_ =	task.clear_ibuf [dreg:s22], $0x2FFFF;
	_ =	strace $0x9FFFFFFF  }
0xd1: {  	(tm) =	ssettm $0x7FFFFFFF  }
tec
execute0_lowered:
.L_overlay_start_1:
0x0: {  	(tag) =	ssettag $0x1  }
0x1: {  	s2 =	rddreg [dreg:$0x0];
	s1 =	srdreg.scid  }
0x2: {  	s0 =	stileid.u32;
	s4 =	rddreg [dreg:$0x1];
	s3 =	simm.s32 $0x0  }
0x3: {  	s13 =	simm.s32 $0x6580;
	s14 =	simm.s32 $0x7200;
	s15 =	simm.s32 $0x8200  }
0x4: {  	s16 =	simm.s32 $0x9200;
	s5 =	sand.u32 $0x1, s1;
	s1 =	rddreg [dreg:$0x2]  }
0x5: {  	v0 =	vimm.s32 $0xFFEDCBA9;
	s17 =	simm.s32 $0x0;
	s6 =	sshll.u32 s0, $0x1;
	[smem:$0x7FF] =	sst s3  }
0x6: {  	v1 =	vimm.s32 $0x87654321;
	s10 =	smul.u32 $0x1870, s0;
	s6 =	sor.u32 s5, s6;
	_ =	strace $0x8000004A  }
0x7: {  	v0 =	vunpack.c.l.s4.s8 v0;
	v1 =	vunpack.c.l.s4.s8 v1;
	s9 =	ssub.s32 $0x2, s5;
	s11 =	smul.u32 $0xC38, s5;
	s7 =	sshll.u32 s6, $0x9  }
0x8: {  	s8 =	sshll.u32 s6, $0x4;
	s6 =	smul.u32 $0xC38, s6;
	s30 =	sshrl.u32 s9, $0x1  }
.Ltmp0:
0x9: {  	v3 =	vunpack.c.0.s8.s32 v0;
	v4 =	vunpack.c.0.s8.s32 v1;
	s7 =	sadd.s32 s7, s4;
	s8 =	sadd.s32 s8, s4;
	(pc) =	sbr.rel .LBB2_1-.Ltmp0, $4  }
0xa: {  	v2 =	vlaneseq.u32;
	s9 =	ssub.s32 s9, s30;
	s31 =	ssub.s32 $0x186A0, s6;
	s4 =	sadd.s32 $0x41E00, s7  }
0xb: {  	vm0 =	vcmask $0x3F3C;
	s5 =	sadd.s32 $0x45E00, s7;
	v0 =	vmov s6;
	s6 =	sadd.s32 $0x49E00, s8;
	s7 =	smax.u32 s9, $0x1;
	v6 =	vcombine.low v4, v3  }
0xc: {  	v7 =	vimm.s32 $0x0;
	v5 =	vor.u32 $0x80100000, v2;
	s8 =	sadd.s32 s11, s10;
	s9 =	simm.s32 $0x1;
	v3 =	vimm.s32 $0xFFFFFFFF;
	s12 =	smin.u32 s31, $0xC38  }
0xd: {  	s10 =	simm.s32 $0x4000;
	s11 =	simm.s32 $0x4C80;
	v4 =	vor.u32 $0x80000000, v2;
	v1 =	vmov s12;
	s12 =	simm.s32 $0x5900;
	v6 =	vand.u32 $0xF, v6  }
.LBB2_10:
0xe: {  	_ =	sdelay $0x4  }
0xf: {  	[tilespmem:v11+s14+$0x0] =	vst.idx.msk vm1, v9  }
0x10: {  	[tilespmem:v11+s15+$0x0] =	vst.idx.msk vm2, v10  }
.LBB2_11:
0x11: {  	p0 =	sgt.s32 s18, $0x0  }
0x12: {  	s19 =	simm.s32 @!p0 $0x0  }
0x13: {  	v8 =	vmov s19  }
0x14: {  	[tilespmem:$0x9200] =	vst v8  }
0x15: {  	[hbm4b:s4+s3] =	stream.linear.scatter [tilespmem:s14], [sflag:$0x1], $0xD00, $0x38;
	[tilespmem:$0x9280] =	vst v63  }
0x16: {  	_ =	swait.ge [sflag:s9], $0xD00  }
0x17: {  	[sflag:s9] =	ssyncset.done $0x0  }
0x18: {  	[sflag:s9] =	ssyncadd.s32 $0xFFFFF300  }
0x19: {  	[hbm4b:s5+s3] =	stream.linear.scatter [tilespmem:s15], [sflag:$0x1], $0xD00, $0x38;
	[tilespmem:$0x9280] =	vst v63  }
0x1a: {  	s17 =	sadd.s32 $0x1, s17;
	_ =	swait.ge [sflag:s9], $0xD00  }
0x1b: {  	p0 =	sne.s32 s17, s7;
	[sflag:s9] =	ssyncset.done $0x0  }
.Ltmp1:
0x1c: {  	[sflag:s9] =	ssyncadd.s32 $0xFFFFF300;
	(pc) =	sbr.rel @!p0 .LBB2_12-.Ltmp1, $4  }
0x1d: {  	[hbm4b:s6+s3] =	stream.linear.scatter [tilespmem:s16], [sflag:$0x1], $0x80, $0x38;
	[tilespmem:$0x9280] =	vst v63  }
0x1e: {  	_ =	swait.ge [sflag:s9], $0x80  }
0x1f: {  	[sflag:s9] =	ssyncset.done $0x0  }
0x20: {  	[sflag:s9] =	ssyncadd.s32 $0xFFFFFF80  }
.LBB2_1:
0x21: {  	[tilespmem:s3], [sflag:$0x1] =	stream.linear.gather [hbm4b:s2+s3], $0x4000, $0x38;
	[tilespmem:$0x9280] =	vst v63  }
0x22: {  	_ =	swait.ge [sflag:s9], $0x4000  }
0x23: {  	[sflag:s9] =	ssyncset.done $0x0  }
0x24: {  	s18 =	simm.s32 $0x0;
	[sflag:s9] =	ssyncadd.s32 $0xFFFFC000  }
.LBB2_2:
0x25: {  	p0 =	sne.s32 s18, $0x30C0  }
.Ltmp2:
0x26: {  	s19 =	sshra.s32 s18, $0x2;
	(pc) =	sbr.rel @p0 .LBB2_2-.Ltmp2, $4  }
0x27: {  	[tilespmem:s19+$0x4000] =	vst v3  }
0x28: {  	[tilespmem:s19+$0x4C80] =	vst v3  }
0x29: {  	[tilespmem:s19+$0x5900] =	vst v3  }
0x2a: {  	s18 =	sadd.s32 $0x40, s18;
	[tilespmem:s19+$0x6580] =	vst v3  }
0x2b: {  	s18 =	simm.s32 $0x0;
	s19 =	simm.s32 $0x20;
	s20 =	simm.s32 $0x0  }
.LBB2_4:
0x2c: {  	v8 =	vld [tilespmem:s19+$0xFFFFFFE0];
	_ =	sdelay $0x4  }
0x2d: {  	v8 =	vsub.s32 v8, v0  }
0x2e: {  	vm1 =	vgt.s32 v8, $0xFFFFFFFF;
	vm2 =	vlt.s32 v8, v1;
	v8 =	vshll.u32 v8, $0x4  }
0x2f: {  	vm1 =	vmand vm1, vm2;
	v8 =	vxor.u32 v4, v8  }
0x30: {  	v9 =	vor.u32 s20, v2;
	v8 =	vsel vm1, v8, v5  }
0x31: {  	(xrf1) =	vsort.ascd.msk.u32 $0xffff, v8, v9;
	_ =	sdelay $0xd  }
0x32: {  	v8, v9, _ =	vpop (xrf1)  }
0x33: {  	v8 =	vxor.u32 $0x80000000, v8  }
0x34: {  	v10 =	vshra.s32 v8, $0x4  }
0x35: {  	v11 =	vperm.xlane v10, v6;
	_ =	sdelay $0x1  }
0x36: {  	vm1 =	vne.s32 v10, v11  }
0x37: {  	vm2 =	vlt.s32 v8, $0x100000;
	vm1 =	vmor vm1, vm0  }
0x38: {  	vm1 =	vmand vm2, vm1  }
0x39: {  	v8 =	vnsel vm2, $0xC38, v10;
	_ =	sdelay $0x4  }
0x3a: {  	[tilespmem:v8+s10+$0x0] =	vst.idx.msk vm1, v9  }
0x3b: {  	v8 =	vld [tilespmem:s19+$0xFFFFFFF0];
	_ =	sdelay $0x4  }
0x3c: {  	v8 =	vsub.s32 v8, v0  }
0x3d: {  	vm1 =	vgt.s32 v8, $0xFFFFFFFF;
	vm2 =	vlt.s32 v8, v1;
	v8 =	vshll.u32 v8, $0x4  }
0x3e: {  	s21 =	sadd.s32 $0x10, s20;
	vm1 =	vmand vm1, vm2;
	v8 =	vxor.u32 v4, v8  }
0x3f: {  	v55 =	vor.u32 s21, v2;
	v8 =	vsel vm1, v8, v5  }
0x40: {  	(xrf1) =	vsort.ascd.msk.u32 $0xffff, v8, v55;
	_ =	sdelay $0xd  }
0x41: {  	v8, v9, _ =	vpop (xrf1)  }
0x42: {  	v8 =	vxor.u32 $0x80000000, v8  }
0x43: {  	v56 =	vshra.s32 v8, $0x4  }
0x44: {  	v57 =	vperm.xlane v56, v6;
	_ =	sdelay $0x1  }
0x45: {  	vm1 =	vne.s32 v56, v57  }
0x46: {  	vm2 =	vlt.s32 v8, $0x100000;
	vm1 =	vmor vm1, vm0  }
0x47: {  	vm1 =	vmand vm2, vm1  }
0x48: {  	v8 =	vnsel vm2, $0xC38, v56;
	_ =	sdelay $0x4  }
0x49: {  	[tilespmem:v8+s11+$0x0] =	vst.idx.msk vm1, v9  }
0x4a: {  	v8 =	vld [tilespmem:s19+$0x0];
	_ =	sdelay $0x4  }
0x4b: {  	v8 =	vsub.s32 v8, v0  }
0x4c: {  	vm1 =	vgt.s32 v8, $0xFFFFFFFF;
	vm2 =	vlt.s32 v8, v1;
	v8 =	vshll.u32 v8, $0x4  }
0x4d: {  	s30 =	sadd.s32 $0x20, s20;
	vm1 =	vmand vm1, vm2;
	v8 =	vxor.u32 v4, v8  }
0x4e: {  	v58 =	vor.u32 s30, v2;
	v8 =	vsel vm1, v8, v5  }
0x4f: {  	(xrf1) =	vsort.ascd.msk.u32 $0xffff, v8, v58;
	_ =	sdelay $0xd  }
0x50: {  	v8, v9, _ =	vpop (xrf1)  }
0x51: {  	v8 =	vxor.u32 $0x80000000, v8  }
0x52: {  	v59 =	vshra.s32 v8, $0x4  }
0x53: {  	v60 =	vperm.xlane v59, v6;
	_ =	sdelay $0x1  }
0x54: {  	vm1 =	vne.s32 v59, v60  }
0x55: {  	vm2 =	vlt.s32 v8, $0x100000;
	vm1 =	vmor vm1, vm0  }
0x56: {  	vm1 =	vmand vm2, vm1  }
0x57: {  	v8 =	vnsel vm2, $0xC38, v59;
	_ =	sdelay $0x4  }
0x58: {  	[tilespmem:v8+s12+$0x0] =	vst.idx.msk vm1, v9  }
0x59: {  	v8 =	vld [tilespmem:s19+$0x10];
	_ =	sdelay $0x4  }
0x5a: {  	v8 =	vsub.s32 v8, v0  }
0x5b: {  	vm1 =	vgt.s32 v8, $0xFFFFFFFF;
	vm2 =	vlt.s32 v8, v1;
	v8 =	vshll.u32 v8, $0x4  }
0x5c: {  	s31 =	sadd.s32 $0x30, s20;
	vm1 =	vmand vm1, vm2;
	v8 =	vxor.u32 v4, v8  }
0x5d: {  	v61 =	vor.u32 s31, v2;
	v8 =	vsel vm1, v8, v5  }
0x5e: {  	(xrf1) =	vsort.ascd.msk.u32 $0xffff, v8, v61;
	_ =	sdelay $0xd  }
0x5f: {  	v8, v9, _ =	vpop (xrf1)  }
0x60: {  	v8 =	vxor.u32 $0x80000000, v8  }
0x61: {  	v62 =	vshra.s32 v8, $0x4  }
0x62: {  	v63 =	vperm.xlane v62, v6;
	_ =	sdelay $0x1  }
0x63: {  	vm1 =	vne.s32 v62, v63  }
0x64: {  	vm2 =	vlt.s32 v8, $0x100000;
	vm1 =	vmor vm1, vm0  }
0x65: {  	vm1 =	vmand vm2, vm1  }
0x66: {  	p0 =	sne.s32 s20, $0x3FC0;
	v8 =	vnsel vm2, $0xC38, v62  }
.Ltmp3:
0x67: {  	_ = 	snop;
	(pc) =	sbr.rel @p0 .LBB2_4-.Ltmp3, $2  }
0x68: {  	_ =	sdelay $0x2  }
0x69: {  	s20 =	sadd.s32 $0x40, s20;
	s19 =	sadd.s32 $0x40, s19;
	[tilespmem:v8+s13+$0x0] =	vst.idx.msk vm1, v9  }
0x6a: {  	s19 =	simm.s32 $0x0  }
0x6b: {  	v8 =	vld [tilespmem:s19+$0x4C80]  }
0x6c: {  	v9 =	vld [tilespmem:s19+$0x4000]  }
0x6d: {  	v10 =	vld [tilespmem:s19+$0x5900]  }
0x6e: {  	v11 =	vld [tilespmem:s19+$0x6580];
	_ =	sdelay $0x4  }
0x6f: {  	vm1 =	vgt.s32 v9, v8;
	vm2 =	vgt.s32 v10, v11  }
0x70: {  	v8 =	vsel vm1, v9, v8;
	v59 =	vsel vm2, v10, v11  }
0x71: {  	vm1 =	vgt.s32 v8, v59  }
0x72: {  	v8 =	vsel vm1, v8, v59  }
0x73: {  	vm1 =	vgt.s32 v8, $0xFFFFFFFF  }
0x74: {  	v60 =	vsel vm1, $0x1, v7  }
0x75: {  	(xrf0) =	vadd.scan.msk.s32 $0xffff, v60  }
0x76: {  	v61 =	vadd.s32 s8, v2  }
0x77: {  	v63 =	vshll.u32 v61, $0xE  }
0x78: {  	v11 =	vadd.s32 v63, v8  }
0x79: {  	v11 =	vxor.u32 $0x80000000, v11  }
0x7a: {  	v11 =	vnsel vm1, $0x7FFFFFFF, v11  }
0x7b: {  	v12, _, _ =	vpop (xrf0);
	(xrf0) =	vmax.scan.msk.u32 $0xffff, v11  }
0x7c: {  	v62 =	vmov s18  }
0x7d: {  	v10 =	vadd.s32 $0xFFFFFFFF, v62  }
0x7e: {  	v10 =	vbroadcast v10, $0x0;
	_ =	sdelay $0x1  }
0x7f: {  	v10 =	vadd.s32 v12, v10  }
0x80: {  	(v2sf) =	vpush v12, $0xF;
	v10 =	vnsel vm1, $0xCFF, v10;
	v11, _, _ =	vpop (xrf0)  }
0x81: {  	(v2sf) =	vpush v11, $0xF;
	_ =	sdelay $0x3  }
0x82: {  	s22 =	simm.s32 $0x10;
	[tilespmem:v10+s14+$0x0] =	vst.idx.msk vm1, v61  }
0x83: {  	s21 =	simm.s32 $0x80;
	s20 =	smov.u32 s8;
	s19 =	simm.s32 $0xFFFFFFFF;
	[tilespmem:v10+s15+$0x0] =	vst.idx.msk vm1, v8  }
.LBB2_6:
0x84: {  	s23 =	smov.u32 s19  }
0x85: {  	p0 =	sne.s32 s21, $0x30C0;
	v8 =	vld [tilespmem:s22+$0x4C80]  }
0x86: {  	v9 =	vld [tilespmem:s22+$0x4000]  }
0x87: {  	v10 =	vld [tilespmem:s22+$0x5900]  }
0x88: {  	v11 =	vld [tilespmem:s22+$0x6580];
	_ =	sdelay $0x3  }
0x89: {  	s19 =	spop (v2sf)  }
0x8a: {  	vm1 =	vgt.s32 v9, v8;
	vm2 =	vgt.s32 v10, v11;
	s18 =	sadd.s32 s18, s19;
	s19 =	spop (v2sf)  }
0x8b: {  	s20 =	sadd.s32 $0x10, s20;
	v8 =	vsel vm1, v9, v8;
	v9 =	vsel vm2, v10, v11;
	v10 =	vmov s18;
	s19 =	sxor.u32 $0x80000000, s19  }
0x8c: {  	v11 =	vadd.s32 s20, v2;
	vm1 =	vgt.s32 v8, v9;
	v10 =	vadd.s32 $0xFFFFFFFF, v10;
	p1 =	sgt.s32 s23, s19  }
0x8d: {  	v8 =	vsel vm1, v8, v9;
	v9 =	vbroadcast v10, $0x0;
	v10 =	vshll.u32 v11, $0xE;
	s19 =	smov.u32 @p1 s23  }
0x8e: {  	vm1 =	vgt.s32 v8, $0xFFFFFFFF;
	v10 =	vadd.s32 v10, v8  }
0x8f: {  	v12 =	vsel vm1, $0x1, v7;
	v10 =	vxor.u32 $0x80000000, v10  }
0x90: {  	v10 =	vnsel vm1, $0x7FFFFFFF, v10;
	(xrf0) =	vadd.scan.msk.s32 $0xffff, v12  }
0x91: {  	(xrf0) =	vmax.scan.msk.u32 $0xffff, v10;
	_ =	sdelay $0x4  }
0x92: {  	v10, _, _ =	vpop (xrf0)  }
0x93: {  	v9 =	vadd.s32 v10, v9;
	(v2sf) =	vpush v10, $0xF;
	v10, _, _ =	vpop (xrf0)  }
0x94: {  	v9 =	vnsel vm1, $0xCFF, v9;
	(v2sf) =	vpush v10, $0xF;
	_ =	sdelay $0x1  }
.Ltmp4:
0x95: {  	(pc) =	sbr.rel @p0 .LBB2_6-.Ltmp4, $3  }
0x96: {  	_ =	sdelay $0x1  }
0x97: {  	[tilespmem:v9+s14+$0x0] =	vst.idx.msk vm1, v11  }
0x98: {  	s22 =	sshra.s32 s21, $0x2;
	s21 =	sadd.s32 $0x40, s21;
	[tilespmem:v9+s15+$0x0] =	vst.idx.msk vm1, v8  }
0x99: {  	v8 =	vld [tilespmem:s22+$0x4C80]  }
0x9a: {  	v9 =	vld [tilespmem:s22+$0x4000]  }
0x9b: {  	v10 =	vld [tilespmem:s22+$0x5900]  }
0x9c: {  	v11 =	vld [tilespmem:s22+$0x6580];
	_ =	sdelay $0x4  }
0x9d: {  	vm1 =	vgt.s32 v9, v8;
	vm2 =	vgt.s32 v10, v11  }
0x9e: {  	v8 =	vsel vm1, v9, v8;
	v57 =	vsel vm2, v10, v11  }
0x9f: {  	vm1 =	vgt.s32 v8, v57  }
0xa0: {  	v8 =	vsel vm1, v8, v57  }
0xa1: {  	vm1 =	vgt.s32 v8, $0xFFFFFFFF  }
0xa2: {  	v60 =	vsel vm1, $0x1, v7  }
0xa3: {  	s20 =	sadd.s32 $0x10, s20;
	(xrf0) =	vadd.scan.msk.s32 $0xffff, v60  }
0xa4: {  	v58 =	vadd.s32 s20, v2  }
0xa5: {  	v59 =	vshll.u32 v58, $0xE  }
0xa6: {  	v9 =	vadd.s32 v59, v8  }
0xa7: {  	v9 =	vxor.u32 $0x80000000, v9  }
0xa8: {  	v9 =	vnsel vm1, $0x7FFFFFFF, v9  }
0xa9: {  	(xrf0) =	vmax.scan.msk.u32 $0xffff, v9;
	v61, _, _ =	vpop (xrf0)  }
0xaa: {  	(v2sf) =	vpush v61, $0xF;
	_ =	sdelay $0x4  }
0xab: {  	v62, _, _ =	vpop (xrf0)  }
0xac: {  	(v2sf) =	vpush v62, $0xF;
	_ =	sdelay $0x5  }
0xad: {  	s26 =	spop (v2sf)  }
0xae: {  	s20 =	sadd.s32 s18, s26  }
0xaf: {  	s28 =	spop (v2sf);
	v63 =	vmov s20  }
0xb0: {  	v11 =	vadd.s32 $0xFFFFFFFF, v63;
	s21 =	spop (v2sf)  }
0xb1: {  	v11 =	vbroadcast v11, $0x0;
	s18 =	sadd.s32 s20, s21  }
0xb2: {  	s24 =	sadd.s32 $0x7F, s18  }
0xb3: {  	s23 =	sxor.u32 $0x80000000, s28;
	v9 =	vadd.s32 v61, v11;
	s30 =	sand.u32 $0x7F, s24  }
0xb4: {  	p0 =	sgt.s32 s19, s23;
	v9 =	vnsel vm1, $0xCFF, v9;
	p1 =	slt.s32 s24, $0x1;
	p6 =	sne.s32 s30, $0x0  }
0xb5: {  	s23 =	smov.u32 @p0 s19;
	p0 =	por !p1, !p6;
	p1 =	slt.s32 s18, $0x1  }
.Ltmp5:
0xb6: {  	s29 =	spop (v2sf);
	s31 =	sshra.s32 s24, $0x1F;
	(pc) =	sbr.rel @p1 .LBB2_11-.Ltmp5, $4  }
0xb7: {  	s22 =	sxor.u32 $0x80000000, s29;
	s19 =	sshrl.u32 s31, $0x19  }
0xb8: {  	s19 =	sadd.s32 s19, s24;
	s24 =	simm.s32 $0x1;
	p0 =	por !p0, !p0  }
0xb9: {  	[tilespmem:v9+s14+$0x0] =	vst.idx.msk vm1, v58;
	p2 =	sgt.s32 s23, s22;
	s19 =	sshra.s32 s19, $0x7;
	s24 =	simm.s32 @!p0 $0x0  }
0xba: {  	[tilespmem:v9+s15+$0x0] =	vst.idx.msk vm1, v8;
	s22 =	smov.u32 @p2 s23;
	s19 =	ssub.s32 s19, s24  }
0xbb: {  	s20 =	sadd.s32 s20, s21  }
0xbc: {  	s30 =	sshll.u32 s19, $0x7;
	s23 =	sadd.s32 $0x0, s20  }
0xbd: {  	s24 =	sshra.s32 s22, $0xE;
	v8 =	vmov s30;
	v11 =	vadd.s32 s23, v2  }
0xbe: {  	s31 =	sand.u32 $0x3FFF, s22;
	v9 =	vmov s24;
	vm1 =	vlt.s32 v11, v8;
	vm2 =	vlt.s32 v11, $0xCFF  }
0xbf: {  	s21 =	simm.s32 $0x10;
	v10 =	vmov s31;
	v11 =	vnsel vm2, $0xCFF, v11;
	vm2 =	vmmov vm1  }
.LBB2_9:
0xc0: {  	p0 =	sne.s32 s21, $0x70  }
.Ltmp6:
0xc1: {  	_ = 	snop;
	(pc) =	sbr.rel @p0 .LBB2_9-.Ltmp6, $4  }
0xc2: {  	s22 =	sadd.s32 s21, s20  }
0xc3: {  	v12 =	vadd.s32 s22, v2  }
0xc4: {  	[tilespmem:v11+s14+$0x0] =	vst.idx.msk vm1, v9;
	vm3 =	vlt.s32 v12, $0xCFF;
	vm1 =	vlt.s32 v12, v8  }
0xc5: {  	s21 =	sadd.s32 $0x10, s21;
	[tilespmem:v11+s15+$0x0] =	vst.idx.msk vm2, v10;
	v11 =	vnsel vm3, $0xCFF, v12;
	vm2 =	vmmov vm1  }
.Ltmp7:
0xc6: {  	_ = 	snop;
	(pc) =	sbr.rel .LBB2_10-.Ltmp7, $1  }
0xc7: {  	_ =	sdelay $0x3  }
.LBB2_12:
0xc8: {  	_ =	sfence.sel $0x180000  }
0xc9: {  	[bflag:$0x0] =	sbarrier.arrive $0xFFFF  }
0xca: {  	p0 =	sne.s32 s0, $0x0;
	_ =	strace $0x9000004A  }
0xcb: {  	s0 =	sadd.s32 @!p0 $0x100000, s1;
	[bflag:$0x2] =	sbarrier.arrive $0xFFFF  }
0xcc: {  	[sflag:s0] =	ssyncadd.tile.s32 @!p0 $0x1;
	_ =	shalt  }
.Lfunc_end2:
_tile_overlayer_lowered:
.L_overlay_start_2:
0xcd: {  	(tag) =	ssettag $0x2  }
0xce: {  	s0 =	rddreg [dreg:$0x0];
	s2 =	stileid.u32  }
0xcf: {  	s1 =	rddreg [dreg:$0x1];
	p0 =	sne.s32 s2, $0x0  }
0xd0: {  	s3 =	rddreg [dreg:$0x2];
	[bflag:$0x3] =	sbarrier.arrive $0xFFFF;
	s2 =	simm.s32 @!p0 $0x1C01  }
0xd1: {  	[timem:s3], [sflag:s2] =	dma.local @!p0 [hbm:s0], s1  }
0xd2: {  	s0 =	simm.s32 @!p0 $0x1  }
0xd3: {  	_ =	swait.ge @!p0 [sflag:s0], s1  }
0xd4: {  	s1 =	ssub.s32 @!p0 $0x0, s1;
	[sflag:s0] =	ssyncset.done @!p0 $0x0  }
0xd5: {  	[sflag:s0] =	ssyncadd.s32 @!p0 s1  }
0xd6: {  	[bflag:$0x3] =	sbarrier.arrive $0xFFFF  }
0xd7: {  	_ =	shalt  }

</sc_bundles>
